<compile_context>
chip_gen: v7x
topology: tpu7x:2x2x1
jax: 0.10.2.dev20260603
libtpu: 0.0.44.dev20260713+nightly
codegen_flags: <defaults>
</compile_context>

<pallas_src>
import jax
import jax.numpy as jnp
from jax import lax
from jax.experimental import pallas as pl
from jax.experimental.pallas import tpu as pltpu
from jax.experimental.pallas import tpu_sc as plsc

B, T = 512, 17
SLOT_DIM, EMB_DIM, ACTION_DIM, NUM_ACTIONS = 64, 64, 32, 8192
N_ROWS = B * (T - 1)

ROW_TILE = 2048
GRID = N_ROWS // ROW_TILE
CB_CHUNK = 2048
N_CHUNKS = NUM_ACTIONS // CB_CHUNK

SC_CORES = 2
SC_SUBCORES = 16
NW = SC_CORES * SC_SUBCORES
ROWS_PER_W = N_ROWS // NW
GATHER_CHUNK = 128
G_PER_W = ROWS_PER_W // GATHER_CHUNK
LANES = 16


def _encode_argmin_body(slots_lo, slots_hi, noise, W_enc, b_enc, W_mean,
                        b_mean, W_var, b_var, cb_t, z_out, idx_out):
    tok_lo = jnp.maximum(jnp.dot(slots_lo[...], W_enc[...])
                         + b_enc[...][None, :], 0.0)
    tok_hi = jnp.maximum(jnp.dot(slots_hi[...], W_enc[...])
                         + b_enc[...][None, :], 0.0)
    wm = W_mean[...]
    bm = b_mean[...][None, :]
    wv = W_var[...]
    bv = b_var[...][None, :]
    mt_lo = jnp.dot(tok_lo, wm) + bm
    mt_hi = jnp.dot(tok_hi, wm) + bm
    vt_lo = jnp.abs(jnp.dot(tok_lo, wv) + bv)
    vt_hi = jnp.abs(jnp.dot(tok_hi, wv) + bv)
    dir_mean = mt_hi - mt_lo
    dir_var = vt_hi + vt_lo
    z = noise[...] * jnp.sqrt(dir_var + 1e-6) + dir_mean
    z_out[...] = z

    z2 = jnp.sum(z * z, axis=1, keepdims=True)
    zm2 = -2.0 * z
    run_min = jnp.full((ROW_TILE, 1), jnp.inf, jnp.float32)
    run_idx = jnp.zeros((ROW_TILE, 1), jnp.int32)
    for c in range(N_CHUNKS):
        cb_c = cb_t[...][:, c * CB_CHUNK:(c + 1) * CB_CHUNK]
        cn = jnp.sum(cb_c * cb_c, axis=0, keepdims=True)
        mm2 = jnp.dot(zm2, cb_c, preferred_element_type=jnp.float32)
        d = (z2 + mm2) + cn
        m = jnp.min(d, axis=1, keepdims=True)
        iota = lax.broadcasted_iota(jnp.int32, (ROW_TILE, CB_CHUNK), 1)
        li = jnp.min(jnp.where(d == m, iota, jnp.int32(2**30)),
                     axis=1, keepdims=True) + c * CB_CHUNK
        upd = m <= run_min
        run_idx = jnp.where(upd, li, run_idx)
        run_min = jnp.minimum(m, run_min).astype(jnp.bfloat16).astype(
            jnp.float32)
    idx_out[...] = run_idx


def _sc_gather_loss_body(cb_hbm, idx_hbm, z_hbm, zq_hbm, part_hbm,
                         idx_v, rows_v, z_v, acc_v, sem):
    wid = lax.axis_index("c") * SC_SUBCORES + lax.axis_index("s")
    base = wid * G_PER_W
    pltpu.sync_copy(idx_hbm.at[pl.ds(base, G_PER_W)], idx_v)
    pltpu.sync_copy(z_hbm.at[pl.ds(base, G_PER_W)], z_v)
    for j in range(G_PER_W):
        pltpu.async_copy(cb_hbm.at[idx_v.at[j]], rows_v.at[j], sem).wait()
        pltpu.sync_copy(rows_v.at[j], zq_hbm.at[base + j])

    def body(r, acc):
        for j in range(G_PER_W):
            for h in range(ACTION_DIM // LANES):
                dz = (z_v[j, r, pl.ds(h * LANES, LANES)]
                      - rows_v[j, r, pl.ds(h * LANES, LANES)])
                acc = acc + dz * dz
        return acc

    acc = lax.fori_loop(0, GATHER_CHUNK, body,
                        jnp.zeros((LANES,), jnp.float32))
    acc_v[...] = acc
    pltpu.sync_copy(acc_v, part_hbm.at[wid])


def _sc_gather_loss(codebook, idx3, z3):
    mesh = plsc.VectorSubcoreMesh(core_axis_name="c", subcore_axis_name="s")
    fn = pl.kernel(
        _sc_gather_loss_body,
        out_type=[
            jax.ShapeDtypeStruct((NW * G_PER_W, GATHER_CHUNK, ACTION_DIM),
                                 jnp.float32),
            jax.ShapeDtypeStruct((NW, LANES), jnp.float32),
        ],
        mesh=mesh,
        scratch_types=[
            pltpu.VMEM((G_PER_W, GATHER_CHUNK), jnp.int32),
            pltpu.VMEM((G_PER_W, GATHER_CHUNK, ACTION_DIM), jnp.float32),
            pltpu.VMEM((G_PER_W, GATHER_CHUNK, ACTION_DIM), jnp.float32),
            pltpu.VMEM((LANES,), jnp.float32),
            pltpu.SemaphoreType.DMA,
        ],
        compiler_params=pltpu.CompilerParams(use_tc_tiling_on_sc=False),
    )
    return fn(codebook, idx3, z3)


def _loss_reduce_body(part, out):
    out[...] = jnp.sum(part[...], axis=(0, 1), keepdims=True) * (
        1.25 / (N_ROWS * ACTION_DIM))


def _loss_reduce(part):
    return pl.pallas_call(
        _loss_reduce_body,
        out_shape=jax.ShapeDtypeStruct((1, 1), jnp.float32),
    )(part)


def kernel(slots, noise, W_enc, b_enc, W_mean, b_mean, W_var, b_var, codebook):
    slots_lo = slots[:, :-1, :].reshape(N_ROWS, SLOT_DIM)
    slots_hi = slots[:, 1:, :].reshape(N_ROWS, SLOT_DIM)
    noise2 = noise.reshape(N_ROWS, ACTION_DIM)
    cb_t = codebook.T

    full = lambda shape: pl.BlockSpec(shape, lambda g: (0,) * len(shape))
    z_flat, idx_col = pl.pallas_call(
        _encode_argmin_body,
        grid=(GRID,),
        in_specs=[
            pl.BlockSpec((ROW_TILE, SLOT_DIM), lambda g: (g, 0)),
            pl.BlockSpec((ROW_TILE, SLOT_DIM), lambda g: (g, 0)),
            pl.BlockSpec((ROW_TILE, ACTION_DIM), lambda g: (g, 0)),
            full((SLOT_DIM, EMB_DIM)),
            full((EMB_DIM,)),
            full((EMB_DIM, ACTION_DIM)),
            full((ACTION_DIM,)),
            full((EMB_DIM, ACTION_DIM)),
            full((ACTION_DIM,)),
            full((ACTION_DIM, NUM_ACTIONS)),
        ],
        out_specs=[
            pl.BlockSpec((ROW_TILE, ACTION_DIM), lambda g: (g, 0)),
            pl.BlockSpec((ROW_TILE, 1), lambda g: (g, 0)),
        ],
        out_shape=[
            jax.ShapeDtypeStruct((N_ROWS, ACTION_DIM), jnp.float32),
            jax.ShapeDtypeStruct((N_ROWS, 1), jnp.int32),
        ],
    )(slots_lo, slots_hi, noise2, W_enc, b_enc, W_mean, b_mean, W_var, b_var,
      cb_t)

    idx_flat = idx_col.reshape(N_ROWS)
    idx3 = idx_col.reshape(NW * G_PER_W, GATHER_CHUNK)
    z3 = z_flat.reshape(NW * G_PER_W, GATHER_CHUNK, ACTION_DIM)

    zq3, part = _sc_gather_loss(codebook, idx3, z3)

    vq_loss = _loss_reduce(part).reshape(())
    z_q_st = zq3.reshape(B, T - 1, ACTION_DIM)
    idx_out = idx_flat.reshape(B, T - 1)
    return z_q_st, idx_out, vq_loss

# --- scband reference (transcript-rebuilt; emitter-appended) ---
"""Pipeline reference for scband-base-slot-latent-action-6390911337111 (READ-ONLY COPY).

The authoritative reference and input builder live on the scoring server;
editing this copy changes nothing except your own understanding.
"""

import jax, jax.numpy as jnp
import numpy as np

B, T = 512, 17
SLOT_DIM, EMB_DIM, ACTION_DIM, NUM_ACTIONS = 64, 64, 32, 8192


def setup_inputs(seed: int = 0) -> dict:
    key = jax.random.key(seed)
    ks = jax.random.split(key, 10)
    slots = jax.random.normal(ks[0], (B, T, SLOT_DIM), dtype=jnp.float32)
    noise = jax.random.normal(ks[1], (B, T - 1, ACTION_DIM), dtype=jnp.float32)
    W_enc = jax.random.normal(ks[2], (SLOT_DIM, EMB_DIM), dtype=jnp.float32) * 0.05
    b_enc = jnp.zeros((EMB_DIM,), dtype=jnp.float32)
    W_mean = jax.random.normal(ks[3], (EMB_DIM, ACTION_DIM), dtype=jnp.float32) * 0.05
    b_mean = jnp.zeros((ACTION_DIM,), dtype=jnp.float32)
    W_var = jax.random.normal(ks[4], (EMB_DIM, ACTION_DIM), dtype=jnp.float32) * 0.05
    b_var = jnp.zeros((ACTION_DIM,), dtype=jnp.float32)
    codebook = jax.random.normal(ks[5], (NUM_ACTIONS, ACTION_DIM), dtype=jnp.float32) * 0.05
    return {
        "slots": slots,
        "noise": noise,
        "W_enc": W_enc,
        "b_enc": b_enc,
        "W_mean": W_mean,
        "b_mean": b_mean,
        "W_var": W_var,
        "b_var": b_var,
        "codebook": codebook,
    }


def reference(slots, noise, W_enc, b_enc, W_mean, b_mean, W_var, b_var, codebook):
    # slot encoder (linear + relu), one token per frame
    tokens = jnp.maximum(jnp.einsum("btd,de->bte", slots, W_enc) + b_enc, 0.0)
    # comput_action_dist
    mean_token = jnp.einsum("bte,ea->bta", tokens, W_mean) + b_mean
    var_token = jnp.abs(jnp.einsum("bte,ea->bta", tokens, W_var) + b_var)
    action_dir_mean = mean_token[:, 1:] - mean_token[:, :-1]
    action_dir_var = var_token[:, 1:] + var_token[:, :-1]
    # sample (reparameterized with externally supplied noise)
    z = noise * jnp.sqrt(action_dir_var + 1e-6) + action_dir_mean
    # VectorQuantizer (copy-gradients / straight-through trick, nbooks=1)
    z_flat = z.reshape(-1, codebook.shape[1])
    dist = (
        jnp.sum(z_flat ** 2, axis=1, keepdims=True)
        - 2.0 * z_flat @ codebook.T
        + jnp.sum(codebook ** 2, axis=1)[None, :]
    )
    idx = jnp.argmin(dist, axis=1)
    z_q = jnp.take(codebook, idx, axis=0).reshape(z.shape)
    commit_loss = jnp.mean((z - jax.lax.stop_gradient(z_q)) ** 2)
    codebook_loss = jnp.mean((jax.lax.stop_gradient(z) - z_q) ** 2)
    vq_loss = codebook_loss + 0.25 * commit_loss
    z_q_st = z + jax.lax.stop_gradient(z_q - z)
    return z_q_st, idx.reshape(z.shape[:-1]), vq_loss

if __name__ == "__main__":
    import jax
    _d = setup_inputs()
    print(jax.jit(kernel)(*tuple(_d.values())))

</pallas_src>

<mosaic_0001>
#map = affine_map<(d0, d1) -> (0, 0)>
#map1 = affine_map<(d0, d1) -> (0, 0, 0)>
module attributes {stable_mosaic.version = 14 : i64} {
  func.func @_sc_gather_loss_body(%arg0: i32, %arg1: i32, %arg2: memref<8192x32xf32, #tpu.memory_space<hbm>>, %arg3: memref<64x128xi32, #tpu.memory_space<hbm>>, %arg4: memref<64x128x32xf32, #tpu.memory_space<hbm>>, %arg5: memref<64x128x32xf32, #tpu.memory_space<hbm>>, %arg6: memref<32x16xf32, #tpu.memory_space<hbm>>, %arg7: memref<2x128xi32, #tpu.memory_space<vmem>>, %arg8: memref<2x128x32xf32, #tpu.memory_space<vmem>>, %arg9: memref<2x128x32xf32, #tpu.memory_space<vmem>>, %arg10: memref<16xf32, #tpu.memory_space<vmem>>, %arg11: memref<!tpu.dma_semaphore, #tpu.memory_space<semaphore_mem>>) attributes {dimension_semantics = [#tpu.dimension_semantics<core_parallel>, #tpu.dimension_semantics<subcore_parallel>], iteration_bounds = array<i64: 2, 16>, scalar_prefetch = 0 : i64, scratch_operands = 5 : i64, tpu.core_type = #tpu.core_type<sc_vector_subcore>, window_params = [{transform_indices = #map}, {transform_indices = #map}, {transform_indices = #map1}, {transform_indices = #map1}, {transform_indices = #map}]} {
    %mul3A = arith.constant 16 : i32
    %mul3A_0 = arith.muli %arg0, %mul3A : i32
    %add3A = arith.addi %mul3A_0, %arg1 : i32
    %mul3A_1 = arith.constant 2 : i32
    %mul3A_2 = arith.muli %add3A, %mul3A_1 : i32
    "tpu.region"() ({
      %run_scoped3A_63 = tpu.sem_alloc : memref<!tpu.dma_semaphore, #tpu.memory_space<semaphore_mem>>
      %dma_start3A_64 = arith.constant 0 : i32
      %dma_start3A_65 = tpu.memref_slice %arg3[%mul3A_2, %dma_start3A_64] : memref<64x128xi32, #tpu.memory_space<hbm>> -> memref<2x128xi32, #tpu.memory_space<hbm>>
      %dma_start3A_66 = arith.constant 0 : i32
      %dma_start3A_67 = tpu.memref_slice %arg3[%mul3A_2, %dma_start3A_66] : memref<64x128xi32, #tpu.memory_space<hbm>> -> memref<2x128xi32, #tpu.memory_space<hbm>>
      tpu.enqueue_dma source(%dma_start3A_67 : memref<2x128xi32, #tpu.memory_space<hbm>>) target(%arg7 : memref<2x128xi32, #tpu.memory_space<vmem>>) target_semaphore(%run_scoped3A_63 : memref<!tpu.dma_semaphore, #tpu.memory_space<semaphore_mem>>)
      %dma_wait3A_68 = arith.constant 0 : i32
      %dma_wait3A_69 = tpu.memref_slice %arg3[%mul3A_2, %dma_wait3A_68] : memref<64x128xi32, #tpu.memory_space<hbm>> -> memref<2x128xi32, #tpu.memory_space<hbm>>
      %dma_wait3A_70 = arith.constant 0 : i32
      %dma_wait3A_71 = tpu.memref_slice %arg3[%mul3A_2, %dma_wait3A_70] : memref<64x128xi32, #tpu.memory_space<hbm>> -> memref<2x128xi32, #tpu.memory_space<hbm>>
      tpu.wait_dma2 semaphore(%run_scoped3A_63 : memref<!tpu.dma_semaphore, #tpu.memory_space<semaphore_mem>>) src(%dma_wait3A_71 : memref<2x128xi32, #tpu.memory_space<hbm>>) dst(%arg7 : memref<2x128xi32, #tpu.memory_space<vmem>>)
      tpu.yield
    }) : () -> ()
    "tpu.region"() ({
      %run_scoped3A_63 = tpu.sem_alloc : memref<!tpu.dma_semaphore, #tpu.memory_space<semaphore_mem>>
      %dma_start3A_64 = arith.constant 0 : i32
      %dma_start3A_65 = arith.constant 0 : i32
      %dma_start3A_66 = tpu.memref_slice %arg4[%mul3A_2, %dma_start3A_64, %dma_start3A_65] : memref<64x128x32xf32, #tpu.memory_space<hbm>> -> memref<2x128x32xf32, #tpu.memory_space<hbm>>
      %dma_start3A_67 = arith.constant 0 : i32
      %dma_start3A_68 = arith.constant 0 : i32
      %dma_start3A_69 = tpu.memref_slice %arg4[%mul3A_2, %dma_start3A_67, %dma_start3A_68] : memref<64x128x32xf32, #tpu.memory_space<hbm>> -> memref<2x128x32xf32, #tpu.memory_space<hbm>>
      tpu.enqueue_dma source(%dma_start3A_69 : memref<2x128x32xf32, #tpu.memory_space<hbm>>) target(%arg9 : memref<2x128x32xf32, #tpu.memory_space<vmem>>) target_semaphore(%run_scoped3A_63 : memref<!tpu.dma_semaphore, #tpu.memory_space<semaphore_mem>>)
      %dma_wait3A_70 = arith.constant 0 : i32
      %dma_wait3A_71 = arith.constant 0 : i32
      %dma_wait3A_72 = tpu.memref_slice %arg4[%mul3A_2, %dma_wait3A_70, %dma_wait3A_71] : memref<64x128x32xf32, #tpu.memory_space<hbm>> -> memref<2x128x32xf32, #tpu.memory_space<hbm>>
      %dma_wait3A_73 = arith.constant 0 : i32
      %dma_wait3A_74 = arith.constant 0 : i32
      %dma_wait3A_75 = tpu.memref_slice %arg4[%mul3A_2, %dma_wait3A_73, %dma_wait3A_74] : memref<64x128x32xf32, #tpu.memory_space<hbm>> -> memref<2x128x32xf32, #tpu.memory_space<hbm>>
      tpu.wait_dma2 semaphore(%run_scoped3A_63 : memref<!tpu.dma_semaphore, #tpu.memory_space<semaphore_mem>>) src(%dma_wait3A_75 : memref<2x128x32xf32, #tpu.memory_space<hbm>>) dst(%arg9 : memref<2x128x32xf32, #tpu.memory_space<vmem>>)
      tpu.yield
    }) : () -> ()
    %dma_start3A = arith.constant 0 : i32
    %dma_start3A_3 = arith.constant 0 : i32
    %dma_start3A_4 = arith.constant 0 : i32
    %dma_start3A_5 = arith.constant 0 : i32
    %dma_start3A_6 = tpu.memref_slice %arg8[%dma_start3A_3, %dma_start3A_4, %dma_start3A_5] : memref<2x128x32xf32, #tpu.memory_space<vmem>> -> memref<1x128x32xf32, #tpu.memory_space<vmem>>
    %dma_start3A_7 = tpu.memref_squeeze %dma_start3A_6 : memref<1x128x32xf32, #tpu.memory_space<vmem>> -> memref<128x32xf32, #tpu.memory_space<vmem>>
    %dma_start3A_8 = arith.constant 0 : i32
    %dma_start3A_9 = tpu.memref_slice %arg7[%dma_start3A, %dma_start3A_8] : memref<2x128xi32, #tpu.memory_space<vmem>> -> memref<1x128xi32, #tpu.memory_space<vmem>>
    %dma_start3A_10 = tpu.memref_squeeze %dma_start3A_9 : memref<1x128xi32, #tpu.memory_space<vmem>> -> memref<128xi32, #tpu.memory_space<vmem>>
    %dma_start3A_11 = arith.constant 0 : i32
    %dma_start3A_12 = arith.constant 0 : i32
    %dma_start3A_13 = tpu.memref_slice %arg2[%dma_start3A_11, %dma_start3A_12] : memref<8192x32xf32, #tpu.memory_space<hbm>> -> memref<8192x32xf32, #tpu.memory_space<hbm>>
    tpu.enqueue_indirect_dma source(%dma_start3A_13 : memref<8192x32xf32, #tpu.memory_space<hbm>>) target(%dma_start3A_7 : memref<128x32xf32, #tpu.memory_space<vmem>>) offsets(%dma_start3A_10 : memref<128xi32, #tpu.memory_space<vmem>>) semaphore(%arg11 : memref<!tpu.dma_semaphore, #tpu.memory_space<semaphore_mem>>)
    %dma_wait3A = arith.constant 0 : i32
    %dma_wait3A_14 = arith.constant 0 : i32
    %dma_wait3A_15 = arith.constant 0 : i32
    %dma_wait3A_16 = arith.constant 0 : i32
    %dma_wait3A_17 = tpu.memref_slice %arg8[%dma_wait3A_14, %dma_wait3A_15, %dma_wait3A_16] : memref<2x128x32xf32, #tpu.memory_space<vmem>> -> memref<1x128x32xf32, #tpu.memory_space<vmem>>
    %dma_wait3A_18 = tpu.memref_squeeze %dma_wait3A_17 : memref<1x128x32xf32, #tpu.memory_space<vmem>> -> memref<128x32xf32, #tpu.memory_space<vmem>>
    %dma_wait3A_19 = arith.constant 0 : i32
    %dma_wait3A_20 = tpu.memref_slice %arg7[%dma_wait3A, %dma_wait3A_19] : memref<2x128xi32, #tpu.memory_space<vmem>> -> memref<1x128xi32, #tpu.memory_space<vmem>>
    %dma_wait3A_21 = tpu.memref_squeeze %dma_wait3A_20 : memref<1x128xi32, #tpu.memory_space<vmem>> -> memref<128xi32, #tpu.memory_space<vmem>>
    %dma_wait3A_22 = arith.constant 0 : i32
    %dma_wait3A_23 = arith.constant 0 : i32
    %dma_wait3A_24 = tpu.memref_slice %arg2[%dma_wait3A_22, %dma_wait3A_23] : memref<8192x32xf32, #tpu.memory_space<hbm>> -> memref<8192x32xf32, #tpu.memory_space<hbm>>
    tpu.wait_indirect_dma semaphore(%arg11 : memref<!tpu.dma_semaphore, #tpu.memory_space<semaphore_mem>>) src(%dma_wait3A_24 : memref<8192x32xf32, #tpu.memory_space<hbm>>) dst(%dma_wait3A_18 : memref<128x32xf32, #tpu.memory_space<vmem>>)
    %add3A_25 = arith.constant 0 : i32
    %add3A_26 = arith.addi %mul3A_2, %add3A_25 : i32
    %run_scoped3A = arith.constant 0 : i32
    "tpu.region"() ({
      %run_scoped3A_63 = tpu.sem_alloc : memref<!tpu.dma_semaphore, #tpu.memory_space<semaphore_mem>>
      %dma_start3A_64 = arith.constant 0 : i32
      %dma_start3A_65 = arith.constant 0 : i32
      %dma_start3A_66 = tpu.memref_slice %arg8[%run_scoped3A, %dma_start3A_64, %dma_start3A_65] : memref<2x128x32xf32, #tpu.memory_space<vmem>> -> memref<1x128x32xf32, #tpu.memory_space<vmem>>
      %dma_start3A_67 = tpu.memref_squeeze %dma_start3A_66 : memref<1x128x32xf32, #tpu.memory_space<vmem>> -> memref<128x32xf32, #tpu.memory_space<vmem>>
      %dma_start3A_68 = arith.constant 0 : i32
      %dma_start3A_69 = arith.constant 0 : i32
      %dma_start3A_70 = tpu.memref_slice %arg5[%add3A_26, %dma_start3A_68, %dma_start3A_69] : memref<64x128x32xf32, #tpu.memory_space<hbm>> -> memref<1x128x32xf32, #tpu.memory_space<hbm>>
      %dma_start3A_71 = tpu.memref_squeeze %dma_start3A_70 : memref<1x128x32xf32, #tpu.memory_space<hbm>> -> memref<128x32xf32, #tpu.memory_space<hbm>>
      %dma_start3A_72 = arith.constant 0 : i32
      %dma_start3A_73 = arith.constant 0 : i32
      %dma_start3A_74 = tpu.memref_slice %arg5[%add3A_26, %dma_start3A_72, %dma_start3A_73] : memref<64x128x32xf32, #tpu.memory_space<hbm>> -> memref<1x128x32xf32, #tpu.memory_space<hbm>>
      %dma_start3A_75 = tpu.memref_squeeze %dma_start3A_74 : memref<1x128x32xf32, #tpu.memory_space<hbm>> -> memref<128x32xf32, #tpu.memory_space<hbm>>
      %dma_start3A_76 = arith.constant 0 : i32
      %dma_start3A_77 = arith.constant 0 : i32
      %dma_start3A_78 = tpu.memref_slice %arg8[%run_scoped3A, %dma_start3A_76, %dma_start3A_77] : memref<2x128x32xf32, #tpu.memory_space<vmem>> -> memref<1x128x32xf32, #tpu.memory_space<vmem>>
      %dma_start3A_79 = tpu.memref_squeeze %dma_start3A_78 : memref<1x128x32xf32, #tpu.memory_space<vmem>> -> memref<128x32xf32, #tpu.memory_space<vmem>>
      tpu.enqueue_dma source(%dma_start3A_79 : memref<128x32xf32, #tpu.memory_space<vmem>>) target(%dma_start3A_75 : memref<128x32xf32, #tpu.memory_space<hbm>>) target_semaphore(%run_scoped3A_63 : memref<!tpu.dma_semaphore, #tpu.memory_space<semaphore_mem>>)
      %dma_wait3A_80 = arith.constant 0 : i32
      %dma_wait3A_81 = arith.constant 0 : i32
      %dma_wait3A_82 = tpu.memref_slice %arg8[%run_scoped3A, %dma_wait3A_80, %dma_wait3A_81] : memref<2x128x32xf32, #tpu.memory_space<vmem>> -> memref<1x128x32xf32, #tpu.memory_space<vmem>>
      %dma_wait3A_83 = tpu.memref_squeeze %dma_wait3A_82 : memref<1x128x32xf32, #tpu.memory_space<vmem>> -> memref<128x32xf32, #tpu.memory_space<vmem>>
      %dma_wait3A_84 = arith.constant 0 : i32
      %dma_wait3A_85 = arith.constant 0 : i32
      %dma_wait3A_86 = tpu.memref_slice %arg5[%add3A_26, %dma_wait3A_84, %dma_wait3A_85] : memref<64x128x32xf32, #tpu.memory_space<hbm>> -> memref<1x128x32xf32, #tpu.memory_space<hbm>>
      %dma_wait3A_87 = tpu.memref_squeeze %dma_wait3A_86 : memref<1x128x32xf32, #tpu.memory_space<hbm>> -> memref<128x32xf32, #tpu.memory_space<hbm>>
      %dma_wait3A_88 = arith.constant 0 : i32
      %dma_wait3A_89 = arith.constant 0 : i32
      %dma_wait3A_90 = tpu.memref_slice %arg5[%add3A_26, %dma_wait3A_88, %dma_wait3A_89] : memref<64x128x32xf32, #tpu.memory_space<hbm>> -> memref<1x128x32xf32, #tpu.memory_space<hbm>>
      %dma_wait3A_91 = tpu.memref_squeeze %dma_wait3A_90 : memref<1x128x32xf32, #tpu.memory_space<hbm>> -> memref<128x32xf32, #tpu.memory_space<hbm>>
      %dma_wait3A_92 = arith.constant 0 : i32
      %dma_wait3A_93 = arith.constant 0 : i32
      %dma_wait3A_94 = tpu.memref_slice %arg8[%run_scoped3A, %dma_wait3A_92, %dma_wait3A_93] : memref<2x128x32xf32, #tpu.memory_space<vmem>> -> memref<1x128x32xf32, #tpu.memory_space<vmem>>
      %dma_wait3A_95 = tpu.memref_squeeze %dma_wait3A_94 : memref<1x128x32xf32, #tpu.memory_space<vmem>> -> memref<128x32xf32, #tpu.memory_space<vmem>>
      tpu.wait_dma2 semaphore(%run_scoped3A_63 : memref<!tpu.dma_semaphore, #tpu.memory_space<semaphore_mem>>) src(%dma_wait3A_95 : memref<128x32xf32, #tpu.memory_space<vmem>>) dst(%dma_wait3A_91 : memref<128x32xf32, #tpu.memory_space<hbm>>)
      tpu.yield
    }) : () -> ()
    %dma_start3A_27 = arith.constant 1 : i32
    %dma_start3A_28 = arith.constant 1 : i32
    %dma_start3A_29 = arith.constant 0 : i32
    %dma_start3A_30 = arith.constant 0 : i32
    %dma_start3A_31 = tpu.memref_slice %arg8[%dma_start3A_28, %dma_start3A_29, %dma_start3A_30] : memref<2x128x32xf32, #tpu.memory_space<vmem>> -> memref<1x128x32xf32, #tpu.memory_space<vmem>>
    %dma_start3A_32 = tpu.memref_squeeze %dma_start3A_31 : memref<1x128x32xf32, #tpu.memory_space<vmem>> -> memref<128x32xf32, #tpu.memory_space<vmem>>
    %dma_start3A_33 = arith.constant 0 : i32
    %dma_start3A_34 = tpu.memref_slice %arg7[%dma_start3A_27, %dma_start3A_33] : memref<2x128xi32, #tpu.memory_space<vmem>> -> memref<1x128xi32, #tpu.memory_space<vmem>>
    %dma_start3A_35 = tpu.memref_squeeze %dma_start3A_34 : memref<1x128xi32, #tpu.memory_space<vmem>> -> memref<128xi32, #tpu.memory_space<vmem>>
    %dma_start3A_36 = arith.constant 0 : i32
    %dma_start3A_37 = arith.constant 0 : i32
    %dma_start3A_38 = tpu.memref_slice %arg2[%dma_start3A_36, %dma_start3A_37] : memref<8192x32xf32, #tpu.memory_space<hbm>> -> memref<8192x32xf32, #tpu.memory_space<hbm>>
    tpu.enqueue_indirect_dma source(%dma_start3A_38 : memref<8192x32xf32, #tpu.memory_space<hbm>>) target(%dma_start3A_32 : memref<128x32xf32, #tpu.memory_space<vmem>>) offsets(%dma_start3A_35 : memref<128xi32, #tpu.memory_space<vmem>>) semaphore(%arg11 : memref<!tpu.dma_semaphore, #tpu.memory_space<semaphore_mem>>)
    %dma_wait3A_39 = arith.constant 1 : i32
    %dma_wait3A_40 = arith.constant 1 : i32
    %dma_wait3A_41 = arith.constant 0 : i32
    %dma_wait3A_42 = arith.constant 0 : i32
    %dma_wait3A_43 = tpu.memref_slice %arg8[%dma_wait3A_40, %dma_wait3A_41, %dma_wait3A_42] : memref<2x128x32xf32, #tpu.memory_space<vmem>> -> memref<1x128x32xf32, #tpu.memory_space<vmem>>
    %dma_wait3A_44 = tpu.memref_squeeze %dma_wait3A_43 : memref<1x128x32xf32, #tpu.memory_space<vmem>> -> memref<128x32xf32, #tpu.memory_space<vmem>>
    %dma_wait3A_45 = arith.constant 0 : i32
    %dma_wait3A_46 = tpu.memref_slice %arg7[%dma_wait3A_39, %dma_wait3A_45] : memref<2x128xi32, #tpu.memory_space<vmem>> -> memref<1x128xi32, #tpu.memory_space<vmem>>
    %dma_wait3A_47 = tpu.memref_squeeze %dma_wait3A_46 : memref<1x128xi32, #tpu.memory_space<vmem>> -> memref<128xi32, #tpu.memory_space<vmem>>
    %dma_wait3A_48 = arith.constant 0 : i32
    %dma_wait3A_49 = arith.constant 0 : i32
    %dma_wait3A_50 = tpu.memref_slice %arg2[%dma_wait3A_48, %dma_wait3A_49] : memref<8192x32xf32, #tpu.memory_space<hbm>> -> memref<8192x32xf32, #tpu.memory_space<hbm>>
    tpu.wait_indirect_dma semaphore(%arg11 : memref<!tpu.dma_semaphore, #tpu.memory_space<semaphore_mem>>) src(%dma_wait3A_50 : memref<8192x32xf32, #tpu.memory_space<hbm>>) dst(%dma_wait3A_44 : memref<128x32xf32, #tpu.memory_space<vmem>>)
    %add3A_51 = arith.constant 1 : i32
    %add3A_52 = arith.addi %mul3A_2, %add3A_51 : i32
    %run_scoped3A_53 = arith.constant 1 : i32
    "tpu.region"() ({
      %run_scoped3A_63 = tpu.sem_alloc : memref<!tpu.dma_semaphore, #tpu.memory_space<semaphore_mem>>
      %dma_start3A_64 = arith.constant 0 : i32
      %dma_start3A_65 = arith.constant 0 : i32
      %dma_start3A_66 = tpu.memref_slice %arg8[%run_scoped3A_53, %dma_start3A_64, %dma_start3A_65] : memref<2x128x32xf32, #tpu.memory_space<vmem>> -> memref<1x128x32xf32, #tpu.memory_space<vmem>>
      %dma_start3A_67 = tpu.memref_squeeze %dma_start3A_66 : memref<1x128x32xf32, #tpu.memory_space<vmem>> -> memref<128x32xf32, #tpu.memory_space<vmem>>
      %dma_start3A_68 = arith.constant 0 : i32
      %dma_start3A_69 = arith.constant 0 : i32
      %dma_start3A_70 = tpu.memref_slice %arg5[%add3A_52, %dma_start3A_68, %dma_start3A_69] : memref<64x128x32xf32, #tpu.memory_space<hbm>> -> memref<1x128x32xf32, #tpu.memory_space<hbm>>
      %dma_start3A_71 = tpu.memref_squeeze %dma_start3A_70 : memref<1x128x32xf32, #tpu.memory_space<hbm>> -> memref<128x32xf32, #tpu.memory_space<hbm>>
      %dma_start3A_72 = arith.constant 0 : i32
      %dma_start3A_73 = arith.constant 0 : i32
      %dma_start3A_74 = tpu.memref_slice %arg5[%add3A_52, %dma_start3A_72, %dma_start3A_73] : memref<64x128x32xf32, #tpu.memory_space<hbm>> -> memref<1x128x32xf32, #tpu.memory_space<hbm>>
      %dma_start3A_75 = tpu.memref_squeeze %dma_start3A_74 : memref<1x128x32xf32, #tpu.memory_space<hbm>> -> memref<128x32xf32, #tpu.memory_space<hbm>>
      %dma_start3A_76 = arith.constant 0 : i32
      %dma_start3A_77 = arith.constant 0 : i32
      %dma_start3A_78 = tpu.memref_slice %arg8[%run_scoped3A_53, %dma_start3A_76, %dma_start3A_77] : memref<2x128x32xf32, #tpu.memory_space<vmem>> -> memref<1x128x32xf32, #tpu.memory_space<vmem>>
      %dma_start3A_79 = tpu.memref_squeeze %dma_start3A_78 : memref<1x128x32xf32, #tpu.memory_space<vmem>> -> memref<128x32xf32, #tpu.memory_space<vmem>>
      tpu.enqueue_dma source(%dma_start3A_79 : memref<128x32xf32, #tpu.memory_space<vmem>>) target(%dma_start3A_75 : memref<128x32xf32, #tpu.memory_space<hbm>>) target_semaphore(%run_scoped3A_63 : memref<!tpu.dma_semaphore, #tpu.memory_space<semaphore_mem>>)
      %dma_wait3A_80 = arith.constant 0 : i32
      %dma_wait3A_81 = arith.constant 0 : i32
      %dma_wait3A_82 = tpu.memref_slice %arg8[%run_scoped3A_53, %dma_wait3A_80, %dma_wait3A_81] : memref<2x128x32xf32, #tpu.memory_space<vmem>> -> memref<1x128x32xf32, #tpu.memory_space<vmem>>
      %dma_wait3A_83 = tpu.memref_squeeze %dma_wait3A_82 : memref<1x128x32xf32, #tpu.memory_space<vmem>> -> memref<128x32xf32, #tpu.memory_space<vmem>>
      %dma_wait3A_84 = arith.constant 0 : i32
      %dma_wait3A_85 = arith.constant 0 : i32
      %dma_wait3A_86 = tpu.memref_slice %arg5[%add3A_52, %dma_wait3A_84, %dma_wait3A_85] : memref<64x128x32xf32, #tpu.memory_space<hbm>> -> memref<1x128x32xf32, #tpu.memory_space<hbm>>
      %dma_wait3A_87 = tpu.memref_squeeze %dma_wait3A_86 : memref<1x128x32xf32, #tpu.memory_space<hbm>> -> memref<128x32xf32, #tpu.memory_space<hbm>>
      %dma_wait3A_88 = arith.constant 0 : i32
      %dma_wait3A_89 = arith.constant 0 : i32
      %dma_wait3A_90 = tpu.memref_slice %arg5[%add3A_52, %dma_wait3A_88, %dma_wait3A_89] : memref<64x128x32xf32, #tpu.memory_space<hbm>> -> memref<1x128x32xf32, #tpu.memory_space<hbm>>
      %dma_wait3A_91 = tpu.memref_squeeze %dma_wait3A_90 : memref<1x128x32xf32, #tpu.memory_space<hbm>> -> memref<128x32xf32, #tpu.memory_space<hbm>>
      %dma_wait3A_92 = arith.constant 0 : i32
      %dma_wait3A_93 = arith.constant 0 : i32
      %dma_wait3A_94 = tpu.memref_slice %arg8[%run_scoped3A_53, %dma_wait3A_92, %dma_wait3A_93] : memref<2x128x32xf32, #tpu.memory_space<vmem>> -> memref<1x128x32xf32, #tpu.memory_space<vmem>>
      %dma_wait3A_95 = tpu.memref_squeeze %dma_wait3A_94 : memref<1x128x32xf32, #tpu.memory_space<vmem>> -> memref<128x32xf32, #tpu.memory_space<vmem>>
      tpu.wait_dma2 semaphore(%run_scoped3A_63 : memref<!tpu.dma_semaphore, #tpu.memory_space<semaphore_mem>>) src(%dma_wait3A_95 : memref<128x32xf32, #tpu.memory_space<vmem>>) dst(%dma_wait3A_91 : memref<128x32xf32, #tpu.memory_space<hbm>>)
      tpu.yield
    }) : () -> ()
    %broadcast_in_dim3A = arith.constant 0.000000e+00 : f32
    %broadcast_in_dim3A_54 = vector.broadcast %broadcast_in_dim3A : f32 to vector<16xf32>
    %scan3A = arith.constant 0 : i32
    %scan3A_55 = arith.constant 128 : i32
    %scan3A_56 = arith.addi %scan3A, %scan3A_55 : i32
    %scan3A_57 = arith.constant 1 : i32
    %scan3A_58 = scf.for %scan3A_63 = %scan3A to %scan3A_56 step %scan3A_57 iter_args(%scan3A_64 = %broadcast_in_dim3A_54) -> (vector<16xf32>)  : i32 {
      %get3A = arith.constant 0 : i32
      %get3A_65 = arith.index_cast %get3A : i32 to index
      %get3A_66 = arith.index_cast %scan3A_63 : i32 to index
      %get3A_67 = arith.constant 0 : index
      %get3A_68 = tpu.vector_load %arg9[%get3A_65, %get3A_66, %get3A_67] {strides = array<i32>} : memref<2x128x32xf32, #tpu.memory_space<vmem>>, vector<1x1x16xf32>,
      %get3A_69 = vector.shape_cast %get3A_68 : vector<1x1x16xf32> to vector<16xf32>
      %get3A_70 = arith.constant 0 : i32
      %get3A_71 = arith.index_cast %get3A_70 : i32 to index
      %get3A_72 = arith.index_cast %scan3A_63 : i32 to index
      %get3A_73 = arith.constant 0 : index
      %get3A_74 = tpu.vector_load %arg8[%get3A_71, %get3A_72, %get3A_73] {strides = array<i32>} : memref<2x128x32xf32, #tpu.memory_space<vmem>>, vector<1x1x16xf32>,
      %get3A_75 = vector.shape_cast %get3A_74 : vector<1x1x16xf32> to vector<16xf32>
      %sub3A = arith.subf %get3A_69, %get3A_75 : vector<16xf32>
      %mul3A_76 = arith.mulf %sub3A, %sub3A : vector<16xf32>
      %add3A_77 = arith.addf %scan3A_64, %mul3A_76 : vector<16xf32>
      %get3A_78 = arith.constant 0 : i32
      %get3A_79 = arith.index_cast %get3A_78 : i32 to index
      %get3A_80 = arith.index_cast %scan3A_63 : i32 to index
      %get3A_81 = arith.constant 16 : index
      %get3A_82 = tpu.vector_load %arg9[%get3A_79, %get3A_80, %get3A_81] {strides = array<i32>} : memref<2x128x32xf32, #tpu.memory_space<vmem>>, vector<1x1x16xf32>,
      %get3A_83 = vector.shape_cast %get3A_82 : vector<1x1x16xf32> to vector<16xf32>
      %get3A_84 = arith.constant 0 : i32
      %get3A_85 = arith.index_cast %get3A_84 : i32 to index
      %get3A_86 = arith.index_cast %scan3A_63 : i32 to index
      %get3A_87 = arith.constant 16 : index
      %get3A_88 = tpu.vector_load %arg8[%get3A_85, %get3A_86, %get3A_87] {strides = array<i32>} : memref<2x128x32xf32, #tpu.memory_space<vmem>>, vector<1x1x16xf32>,
      %get3A_89 = vector.shape_cast %get3A_88 : vector<1x1x16xf32> to vector<16xf32>
      %sub3A_90 = arith.subf %get3A_83, %get3A_89 : vector<16xf32>
      %mul3A_91 = arith.mulf %sub3A_90, %sub3A_90 : vector<16xf32>
      %add3A_92 = arith.addf %add3A_77, %mul3A_91 : vector<16xf32>
      %get3A_93 = arith.constant 1 : i32
      %get3A_94 = arith.index_cast %get3A_93 : i32 to index
      %get3A_95 = arith.index_cast %scan3A_63 : i32 to index
      %get3A_96 = arith.constant 0 : index
      %get3A_97 = tpu.vector_load %arg9[%get3A_94, %get3A_95, %get3A_96] {strides = array<i32>} : memref<2x128x32xf32, #tpu.memory_space<vmem>>, vector<1x1x16xf32>,
      %get3A_98 = vector.shape_cast %get3A_97 : vector<1x1x16xf32> to vector<16xf32>
      %get3A_99 = arith.constant 1 : i32
      %get3A_100 = arith.index_cast %get3A_99 : i32 to index
      %get3A_101 = arith.index_cast %scan3A_63 : i32 to index
      %get3A_102 = arith.constant 0 : index
      %get3A_103 = tpu.vector_load %arg8[%get3A_100, %get3A_101, %get3A_102] {strides = array<i32>} : memref<2x128x32xf32, #tpu.memory_space<vmem>>, vector<1x1x16xf32>,
      %get3A_104 = vector.shape_cast %get3A_103 : vector<1x1x16xf32> to vector<16xf32>
      %sub3A_105 = arith.subf %get3A_98, %get3A_104 : vector<16xf32>
      %mul3A_106 = arith.mulf %sub3A_105, %sub3A_105 : vector<16xf32>
      %add3A_107 = arith.addf %add3A_92, %mul3A_106 : vector<16xf32>
      %get3A_108 = arith.constant 1 : i32
      %get3A_109 = arith.index_cast %get3A_108 : i32 to index
      %get3A_110 = arith.index_cast %scan3A_63 : i32 to index
      %get3A_111 = arith.constant 16 : index
      %get3A_112 = tpu.vector_load %arg9[%get3A_109, %get3A_110, %get3A_111] {strides = array<i32>} : memref<2x128x32xf32, #tpu.memory_space<vmem>>, vector<1x1x16xf32>,
      %get3A_113 = vector.shape_cast %get3A_112 : vector<1x1x16xf32> to vector<16xf32>
      %get3A_114 = arith.constant 1 : i32
      %get3A_115 = arith.index_cast %get3A_114 : i32 to index
      %get3A_116 = arith.index_cast %scan3A_63 : i32 to index
      %get3A_117 = arith.constant 16 : index
      %get3A_118 = tpu.vector_load %arg8[%get3A_115, %get3A_116, %get3A_117] {strides = array<i32>} : memref<2x128x32xf32, #tpu.memory_space<vmem>>, vector<1x1x16xf32>,
      %get3A_119 = vector.shape_cast %get3A_118 : vector<1x1x16xf32> to vector<16xf32>
      %sub3A_120 = arith.subf %get3A_113, %get3A_119 : vector<16xf32>
      %mul3A_121 = arith.mulf %sub3A_120, %sub3A_120 : vector<16xf32>
      %add3A_122 = arith.addf %add3A_107, %mul3A_121 : vector<16xf32>
      scf.yield %add3A_122 : vector<16xf32>
    }
    %scan3A_59 = arith.constant 128 : i32
    %swap3A = arith.constant 0 : index
    %swap3A_60 = tpu.vector_load %arg10[%swap3A] {strides = array<i32>} : memref<16xf32, #tpu.memory_space<vmem>>, vector<16xf32>,
    %swap3A_61 = vector.shape_cast %swap3A_60 : vector<16xf32> to vector<16xf32>
    %swap3A_62 = vector.shape_cast %scan3A_58 : vector<16xf32> to vector<16xf32>
    tpu.vector_store %arg10[%swap3A], %swap3A_62 {strides = array<i32>} : memref<16xf32, #tpu.memory_space<vmem>>, vector<16xf32>,
    "tpu.region"() ({
      %run_scoped3A_63 = tpu.sem_alloc : memref<!tpu.dma_semaphore, #tpu.memory_space<semaphore_mem>>
      %dma_start3A_64 = arith.constant 0 : i32
      %dma_start3A_65 = tpu.memref_slice %arg6[%add3A, %dma_start3A_64] : memref<32x16xf32, #tpu.memory_space<hbm>> -> memref<1x16xf32, #tpu.memory_space<hbm>>
      %dma_start3A_66 = tpu.memref_squeeze %dma_start3A_65 : memref<1x16xf32, #tpu.memory_space<hbm>> -> memref<16xf32, #tpu.memory_space<hbm>>
      %dma_start3A_67 = arith.constant 0 : i32
      %dma_start3A_68 = tpu.memref_slice %arg6[%add3A, %dma_start3A_67] : memref<32x16xf32, #tpu.memory_space<hbm>> -> memref<1x16xf32, #tpu.memory_space<hbm>>
      %dma_start3A_69 = tpu.memref_squeeze %dma_start3A_68 : memref<1x16xf32, #tpu.memory_space<hbm>> -> memref<16xf32, #tpu.memory_space<hbm>>
      tpu.enqueue_dma source(%arg10 : memref<16xf32, #tpu.memory_space<vmem>>) target(%dma_start3A_69 : memref<16xf32, #tpu.memory_space<hbm>>) target_semaphore(%run_scoped3A_63 : memref<!tpu.dma_semaphore, #tpu.memory_space<semaphore_mem>>)
      %dma_wait3A_70 = arith.constant 0 : i32
      %dma_wait3A_71 = tpu.memref_slice %arg6[%add3A, %dma_wait3A_70] : memref<32x16xf32, #tpu.memory_space<hbm>> -> memref<1x16xf32, #tpu.memory_space<hbm>>
      %dma_wait3A_72 = tpu.memref_squeeze %dma_wait3A_71 : memref<1x16xf32, #tpu.memory_space<hbm>> -> memref<16xf32, #tpu.memory_space<hbm>>
      %dma_wait3A_73 = arith.constant 0 : i32
      %dma_wait3A_74 = tpu.memref_slice %arg6[%add3A, %dma_wait3A_73] : memref<32x16xf32, #tpu.memory_space<hbm>> -> memref<1x16xf32, #tpu.memory_space<hbm>>
      %dma_wait3A_75 = tpu.memref_squeeze %dma_wait3A_74 : memref<1x16xf32, #tpu.memory_space<hbm>> -> memref<16xf32, #tpu.memory_space<hbm>>
      tpu.wait_dma2 semaphore(%run_scoped3A_63 : memref<!tpu.dma_semaphore, #tpu.memory_space<semaphore_mem>>) src(%arg10 : memref<16xf32, #tpu.memory_space<vmem>>) dst(%dma_wait3A_75 : memref<16xf32, #tpu.memory_space<hbm>>)
      tpu.yield
    }) : () -> ()
    return
  }
}

module attributes {stable_mosaic.version = 14 : i64} {
  func.func @_encode_argmin_body(%arg0: i32, %arg1: memref<2048x64xf32, #tpu.memory_space<vmem>>, %arg2: memref<2048x64xf32, #tpu.memory_space<vmem>>, %arg3: memref<2048x32xf32, #tpu.memory_space<vmem>>, %arg4: memref<64x64xf32, #tpu.memory_space<vmem>>, %arg5: memref<64xf32, #tpu.memory_space<vmem>>, %arg6: memref<64x32xf32, #tpu.memory_space<vmem>>, %arg7: memref<32xf32, #tpu.memory_space<vmem>>, %arg8: memref<64x32xf32, #tpu.memory_space<vmem>>, %arg9: memref<32xf32, #tpu.memory_space<vmem>>, %arg10: memref<32x8192xf32, #tpu.memory_space<vmem>>, %arg11: memref<2048x32xf32, #tpu.memory_space<vmem>>, %arg12: memref<2048x1xi32, #tpu.memory_space<vmem>>) attributes {dimension_semantics = [#tpu.dimension_semantics<arbitrary>], iteration_bounds = array<i64: 4>, scalar_prefetch = 0 : i64, scratch_operands = 0 : i64, tpu.core_type = #tpu.core_type<tc>, window_params = [{transform_indices = @transform_0, window_bounds = array<i64: 2048, 64>}, {transform_indices = @transform_1, window_bounds = array<i64: 2048, 64>}, {transform_indices = @transform_2, window_bounds = array<i64: 2048, 32>}, {pipeline_mode = #tpu.pipeline_mode<synchronous>, transform_indices = @transform_3, window_bounds = array<i64: 64, 64>}, {pipeline_mode = #tpu.pipeline_mode<synchronous>, transform_indices = @transform_4, window_bounds = array<i64: 64>}, {pipeline_mode = #tpu.pipeline_mode<synchronous>, transform_indices = @transform_5, window_bounds = array<i64: 64, 32>}, {pipeline_mode = #tpu.pipeline_mode<synchronous>, transform_indices = @transform_6, window_bounds = array<i64: 32>}, {pipeline_mode = #tpu.pipeline_mode<synchronous>, transform_indices = @transform_7, window_bounds = array<i64: 64, 32>}, {pipeline_mode = #tpu.pipeline_mode<synchronous>, transform_indices = @transform_8, window_bounds = array<i64: 32>}, {pipeline_mode = #tpu.pipeline_mode<synchronous>, transform_indices = @transform_9, window_bounds = array<i64: 32, 8192>}, {transform_indices = @transform_10, window_bounds = array<i64: 2048, 32>}, {transform_indices = @transform_11, window_bounds = array<i64: 2048, 1>}]} {
    %get3A = arith.constant 0 : index
    %get3A_0 = arith.constant 0 : index
    %get3A_1 = vector.load %arg1[%get3A, %get3A_0] : memref<2048x64xf32, #tpu.memory_space<vmem>>, vector<2048x64xf32>
    %get3A_2 = arith.constant 0 : index
    %get3A_3 = arith.constant 0 : index
    %get3A_4 = vector.load %arg4[%get3A_2, %get3A_3] : memref<64x64xf32, #tpu.memory_space<vmem>>, vector<64x64xf32>
    %dot_general3A = arith.constant dense<0.000000e+00> : vector<2048x64xf32>
    %dot_general3A_5 = tpu.matmul %get3A_1, %get3A_4, %dot_general3A {dimension_numbers = #tpu.dot_dimension_numbers<[1], [0], [0], [1], [0, 0, 1, 1], [], []>, transpose_lhs_hint = false} : vector<2048x64xf32>, vector<64x64xf32>, vector<2048x64xf32> -> vector<2048x64xf32>
    %get3A_6 = arith.constant 0 : index
    %get3A_7 = vector.load %arg5[%get3A_6] : memref<64xf32, #tpu.memory_space<vmem>>, vector<64xf32>
    %broadcast_in_dim3A = vector.shape_cast %get3A_7 : vector<64xf32> to vector<1x64xf32>
    %add3A = vector.broadcast %broadcast_in_dim3A : vector<1x64xf32> to vector<2048x64xf32>
    %add3A_8 = arith.addf %dot_general3A_5, %add3A : vector<2048x64xf32>
    %max3A = arith.constant 0.000000e+00 : f32
    %max3A_9 = vector.broadcast %max3A : f32 to vector<2048x64xf32>
    %max3A_10 = arith.maximumf %add3A_8, %max3A_9 : vector<2048x64xf32>
    %get3A_11 = arith.constant 0 : index
    %get3A_12 = arith.constant 0 : index
    %get3A_13 = vector.load %arg2[%get3A_11, %get3A_12] : memref<2048x64xf32, #tpu.memory_space<vmem>>, vector<2048x64xf32>
    %get3A_14 = arith.constant 0 : index
    %get3A_15 = arith.constant 0 : index
    %get3A_16 = vector.load %arg4[%get3A_14, %get3A_15] : memref<64x64xf32, #tpu.memory_space<vmem>>, vector<64x64xf32>
    %dot_general3A_17 = arith.constant dense<0.000000e+00> : vector<2048x64xf32>
    %dot_general3A_18 = tpu.matmul %get3A_13, %get3A_16, %dot_general3A_17 {dimension_numbers = #tpu.dot_dimension_numbers<[1], [0], [0], [1], [0, 0, 1, 1], [], []>, transpose_lhs_hint = false} : vector<2048x64xf32>, vector<64x64xf32>, vector<2048x64xf32> -> vector<2048x64xf32>
    %get3A_19 = arith.constant 0 : index
    %get3A_20 = vector.load %arg5[%get3A_19] : memref<64xf32, #tpu.memory_space<vmem>>, vector<64xf32>
    %broadcast_in_dim3A_21 = vector.shape_cast %get3A_20 : vector<64xf32> to vector<1x64xf32>
    %add3A_22 = vector.broadcast %broadcast_in_dim3A_21 : vector<1x64xf32> to vector<2048x64xf32>
    %add3A_23 = arith.addf %dot_general3A_18, %add3A_22 : vector<2048x64xf32>
    %max3A_24 = arith.constant 0.000000e+00 : f32
    %max3A_25 = vector.broadcast %max3A_24 : f32 to vector<2048x64xf32>
    %max3A_26 = arith.maximumf %add3A_23, %max3A_25 : vector<2048x64xf32>
    %get3A_27 = arith.constant 0 : index
    %get3A_28 = arith.constant 0 : index
    %get3A_29 = vector.load %arg6[%get3A_27, %get3A_28] : memref<64x32xf32, #tpu.memory_space<vmem>>, vector<64x32xf32>
    %get3A_30 = arith.constant 0 : index
    %get3A_31 = vector.load %arg7[%get3A_30] : memref<32xf32, #tpu.memory_space<vmem>>, vector<32xf32>
    %broadcast_in_dim3A_32 = vector.shape_cast %get3A_31 : vector<32xf32> to vector<1x32xf32>
    %get3A_33 = arith.constant 0 : index
    %get3A_34 = arith.constant 0 : index
    %get3A_35 = vector.load %arg8[%get3A_33, %get3A_34] : memref<64x32xf32, #tpu.memory_space<vmem>>, vector<64x32xf32>
    %get3A_36 = arith.constant 0 : index
    %get3A_37 = vector.load %arg9[%get3A_36] : memref<32xf32, #tpu.memory_space<vmem>>, vector<32xf32>
    %broadcast_in_dim3A_38 = vector.shape_cast %get3A_37 : vector<32xf32> to vector<1x32xf32>
    %dot_general3A_39 = arith.constant dense<0.000000e+00> : vector<2048x32xf32>
    %dot_general3A_40 = tpu.matmul %max3A_10, %get3A_29, %dot_general3A_39 {dimension_numbers = #tpu.dot_dimension_numbers<[1], [0], [0], [1], [0, 0, 1, 1], [], []>, transpose_lhs_hint = false} : vector<2048x64xf32>, vector<64x32xf32>, vector<2048x32xf32> -> vector<2048x32xf32>
    %add3A_41 = vector.broadcast %broadcast_in_dim3A_32 : vector<1x32xf32> to vector<2048x32xf32>
    %add3A_42 = arith.addf %dot_general3A_40, %add3A_41 : vector<2048x32xf32>
    %dot_general3A_43 = arith.constant dense<0.000000e+00> : vector<2048x32xf32>
    %dot_general3A_44 = tpu.matmul %max3A_26, %get3A_29, %dot_general3A_43 {dimension_numbers = #tpu.dot_dimension_numbers<[1], [0], [0], [1], [0, 0, 1, 1], [], []>, transpose_lhs_hint = false} : vector<2048x64xf32>, vector<64x32xf32>, vector<2048x32xf32> -> vector<2048x32xf32>
    %add3A_45 = vector.broadcast %broadcast_in_dim3A_32 : vector<1x32xf32> to vector<2048x32xf32>
    %add3A_46 = arith.addf %dot_general3A_44, %add3A_45 : vector<2048x32xf32>
    %dot_general3A_47 = arith.constant dense<0.000000e+00> : vector<2048x32xf32>
    %dot_general3A_48 = tpu.matmul %max3A_10, %get3A_35, %dot_general3A_47 {dimension_numbers = #tpu.dot_dimension_numbers<[1], [0], [0], [1], [0, 0, 1, 1], [], []>, transpose_lhs_hint = false} : vector<2048x64xf32>, vector<64x32xf32>, vector<2048x32xf32> -> vector<2048x32xf32>
    %add3A_49 = vector.broadcast %broadcast_in_dim3A_38 : vector<1x32xf32> to vector<2048x32xf32>
    %add3A_50 = arith.addf %dot_general3A_48, %add3A_49 : vector<2048x32xf32>
    %abs3A = math.absf %add3A_50 : vector<2048x32xf32>
    %dot_general3A_51 = arith.constant dense<0.000000e+00> : vector<2048x32xf32>
    %dot_general3A_52 = tpu.matmul %max3A_26, %get3A_35, %dot_general3A_51 {dimension_numbers = #tpu.dot_dimension_numbers<[1], [0], [0], [1], [0, 0, 1, 1], [], []>, transpose_lhs_hint = false} : vector<2048x64xf32>, vector<64x32xf32>, vector<2048x32xf32> -> vector<2048x32xf32>
    %add3A_53 = vector.broadcast %broadcast_in_dim3A_38 : vector<1x32xf32> to vector<2048x32xf32>
    %add3A_54 = arith.addf %dot_general3A_52, %add3A_53 : vector<2048x32xf32>
    %abs3A_55 = math.absf %add3A_54 : vector<2048x32xf32>
    %sub3A = arith.subf %add3A_46, %add3A_42 : vector<2048x32xf32>
    %add3A_56 = arith.addf %abs3A_55, %abs3A : vector<2048x32xf32>
    %get3A_57 = arith.constant 0 : index
    %get3A_58 = arith.constant 0 : index
    %get3A_59 = vector.load %arg3[%get3A_57, %get3A_58] : memref<2048x32xf32, #tpu.memory_space<vmem>>, vector<2048x32xf32>
    %add3A_60 = arith.constant 9.99999997E-7 : f32
    %add3A_61 = vector.broadcast %add3A_60 : f32 to vector<2048x32xf32>
    %add3A_62 = arith.addf %add3A_56, %add3A_61 : vector<2048x32xf32>
    %sqrt3A = math.sqrt %add3A_62 : vector<2048x32xf32>
    %mul3A = arith.mulf %get3A_59, %sqrt3A : vector<2048x32xf32>
    %add3A_63 = arith.addf %mul3A, %sub3A : vector<2048x32xf32>
    %swap3A = arith.constant 0 : index
    %swap3A_64 = arith.constant 0 : index
    %swap3A_65 = vector.load %arg11[%swap3A, %swap3A_64] : memref<2048x32xf32, #tpu.memory_space<vmem>>, vector<2048x32xf32>
    tpu.vector_store %arg11[%swap3A, %swap3A_64], %add3A_63 {strides = array<i32>} : memref<2048x32xf32, #tpu.memory_space<vmem>>, vector<2048x32xf32>,
    %mul3A_66 = arith.mulf %add3A_63, %add3A_63 : vector<2048x32xf32>
    %reduce_sum3A = arith.constant dense<0.000000e+00> : vector<2048xf32>
    %reduce_sum3A_67 = vector.multi_reduction <add>, %mul3A_66, %reduce_sum3A [1] : vector<2048x32xf32> to vector<2048xf32>
    %broadcast_in_dim3A_68 = vector.shape_cast %reduce_sum3A_67 : vector<2048xf32> to vector<2048x1xf32>
    %mul3A_69 = arith.constant -2.000000e+00 : f32
    %mul3A_70 = vector.broadcast %mul3A_69 : f32 to vector<2048x32xf32>
    %mul3A_71 = arith.mulf %mul3A_70, %add3A_63 : vector<2048x32xf32>
    %broadcast_in_dim3A_72 = arith.constant 0x7F800000 : f32
    %broadcast_in_dim3A_73 = vector.broadcast %broadcast_in_dim3A_72 : f32 to vector<2048x1xf32>
    %broadcast_in_dim3A_74 = arith.constant 0 : i32
    %broadcast_in_dim3A_75 = vector.broadcast %broadcast_in_dim3A_74 : i32 to vector<2048x1xi32>
    %get3A_76 = arith.constant 0 : index
    %get3A_77 = arith.constant 0 : index
    %get3A_78 = vector.load %arg10[%get3A_76, %get3A_77] : memref<32x8192xf32, #tpu.memory_space<vmem>>, vector<32x8192xf32>
    %slice3A = vector.extract_strided_slice %get3A_78 {offsets = [0, 0], sizes = [32, 2048], strides = [1, 1]} : vector<32x8192xf32> to vector<32x2048xf32>
    %mul3A_79 = arith.mulf %slice3A, %slice3A : vector<32x2048xf32>
    %reduce_sum3A_80 = arith.constant dense<0.000000e+00> : vector<2048xf32>
    %reduce_sum3A_81 = vector.multi_reduction <add>, %mul3A_79, %reduce_sum3A_80 [0] : vector<32x2048xf32> to vector<2048xf32>
    %broadcast_in_dim3A_82 = vector.shape_cast %reduce_sum3A_81 : vector<2048xf32> to vector<1x2048xf32>
    %dot_general3A_83 = arith.constant dense<0.000000e+00> : vector<2048x2048xf32>
    %dot_general3A_84 = tpu.matmul %mul3A_71, %slice3A, %dot_general3A_83 {dimension_numbers = #tpu.dot_dimension_numbers<[1], [0], [0], [1], [0, 0, 1, 1], [], []>, transpose_lhs_hint = false} : vector<2048x32xf32>, vector<32x2048xf32>, vector<2048x2048xf32> -> vector<2048x2048xf32>
    %add3A_85 = vector.broadcast %broadcast_in_dim3A_68 : vector<2048x1xf32> to vector<2048x2048xf32>
    %add3A_86 = arith.addf %add3A_85, %dot_general3A_84 : vector<2048x2048xf32>
    %add3A_87 = vector.broadcast %broadcast_in_dim3A_82 : vector<1x2048xf32> to vector<2048x2048xf32>
    %add3A_88 = arith.addf %add3A_86, %add3A_87 : vector<2048x2048xf32>
    %reduce_min3A = arith.constant dense<0x7F800000> : vector<2048xf32>
    %reduce_min3A_89 = vector.multi_reduction <minimumf>, %add3A_88, %reduce_min3A [1] : vector<2048x2048xf32> to vector<2048xf32>
    %broadcast_in_dim3A_90 = vector.shape_cast %reduce_min3A_89 : vector<2048xf32> to vector<2048x1xf32>
    %iota3A = tpu.iota {dimensions = array<i32: 1>} : vector<2048x2048xi32>
    %eq3A = vector.broadcast %broadcast_in_dim3A_90 : vector<2048x1xf32> to vector<2048x2048xf32>
    %eq3A_91 = arith.cmpf oeq, %add3A_88, %eq3A : vector<2048x2048xf32>
    %jit3A = arith.constant 1073741824 : i32
    %broadcast_in_dim3A_92 = vector.broadcast %jit3A : i32 to vector<2048x2048xi32>
    %select_n3A = arith.select %eq3A_91, %iota3A, %broadcast_in_dim3A_92 : vector<2048x2048xi1>, vector<2048x2048xi32>
    %reduce_min3A_93 = arith.constant dense<2147483647> : vector<2048xi32>
    %reduce_min3A_94 = vector.multi_reduction <minsi>, %select_n3A, %reduce_min3A_93 [1] : vector<2048x2048xi32> to vector<2048xi32>
    %broadcast_in_dim3A_95 = vector.shape_cast %reduce_min3A_94 : vector<2048xi32> to vector<2048x1xi32>
    %add3A_96 = arith.constant 0 : i32
    %add3A_97 = vector.broadcast %add3A_96 : i32 to vector<2048x1xi32>
    %add3A_98 = arith.addi %broadcast_in_dim3A_95, %add3A_97 : vector<2048x1xi32>
    %le3A = arith.cmpf ole, %broadcast_in_dim3A_90, %broadcast_in_dim3A_73 : vector<2048x1xf32>
    %select_n3A_99 = arith.select %le3A, %add3A_98, %broadcast_in_dim3A_75 : vector<2048x1xi1>, vector<2048x1xi32>
    %min3A = arith.minimumf %broadcast_in_dim3A_90, %broadcast_in_dim3A_73 : vector<2048x1xf32>
    %convert_element_type3A = arith.truncf %min3A : vector<2048x1xf32> to vector<2048x1xbf16>
    %convert_element_type3A_100 = arith.extf %convert_element_type3A : vector<2048x1xbf16> to vector<2048x1xf32>
    %get3A_101 = arith.constant 0 : index
    %get3A_102 = arith.constant 0 : index
    %get3A_103 = vector.load %arg10[%get3A_101, %get3A_102] : memref<32x8192xf32, #tpu.memory_space<vmem>>, vector<32x8192xf32>
    %slice3A_104 = vector.extract_strided_slice %get3A_103 {offsets = [0, 2048], sizes = [32, 2048], strides = [1, 1]} : vector<32x8192xf32> to vector<32x2048xf32>
    %mul3A_105 = arith.mulf %slice3A_104, %slice3A_104 : vector<32x2048xf32>
    %reduce_sum3A_106 = arith.constant dense<0.000000e+00> : vector<2048xf32>
    %reduce_sum3A_107 = vector.multi_reduction <add>, %mul3A_105, %reduce_sum3A_106 [0] : vector<32x2048xf32> to vector<2048xf32>
    %broadcast_in_dim3A_108 = vector.shape_cast %reduce_sum3A_107 : vector<2048xf32> to vector<1x2048xf32>
    %dot_general3A_109 = arith.constant dense<0.000000e+00> : vector<2048x2048xf32>
    %dot_general3A_110 = tpu.matmul %mul3A_71, %slice3A_104, %dot_general3A_109 {dimension_numbers = #tpu.dot_dimension_numbers<[1], [0], [0], [1], [0, 0, 1, 1], [], []>, transpose_lhs_hint = false} : vector<2048x32xf32>, vector<32x2048xf32>, vector<2048x2048xf32> -> vector<2048x2048xf32>
    %add3A_111 = vector.broadcast %broadcast_in_dim3A_68 : vector<2048x1xf32> to vector<2048x2048xf32>
    %add3A_112 = arith.addf %add3A_111, %dot_general3A_110 : vector<2048x2048xf32>
    %add3A_113 = vector.broadcast %broadcast_in_dim3A_108 : vector<1x2048xf32> to vector<2048x2048xf32>
    %add3A_114 = arith.addf %add3A_112, %add3A_113 : vector<2048x2048xf32>
    %reduce_min3A_115 = arith.constant dense<0x7F800000> : vector<2048xf32>
    %reduce_min3A_116 = vector.multi_reduction <minimumf>, %add3A_114, %reduce_min3A_115 [1] : vector<2048x2048xf32> to vector<2048xf32>
    %broadcast_in_dim3A_117 = vector.shape_cast %reduce_min3A_116 : vector<2048xf32> to vector<2048x1xf32>
    %iota3A_118 = tpu.iota {dimensions = array<i32: 1>} : vector<2048x2048xi32>
    %eq3A_119 = vector.broadcast %broadcast_in_dim3A_117 : vector<2048x1xf32> to vector<2048x2048xf32>
    %eq3A_120 = arith.cmpf oeq, %add3A_114, %eq3A_119 : vector<2048x2048xf32>
    %jit3A_121 = arith.constant 1073741824 : i32
    %broadcast_in_dim3A_122 = vector.broadcast %jit3A_121 : i32 to vector<2048x2048xi32>
    %select_n3A_123 = arith.select %eq3A_120, %iota3A_118, %broadcast_in_dim3A_122 : vector<2048x2048xi1>, vector<2048x2048xi32>
    %reduce_min3A_124 = arith.constant dense<2147483647> : vector<2048xi32>
    %reduce_min3A_125 = vector.multi_reduction <minsi>, %select_n3A_123, %reduce_min3A_124 [1] : vector<2048x2048xi32> to vector<2048xi32>
    %broadcast_in_dim3A_126 = vector.shape_cast %reduce_min3A_125 : vector<2048xi32> to vector<2048x1xi32>
    %add3A_127 = arith.constant 2048 : i32
    %add3A_128 = vector.broadcast %add3A_127 : i32 to vector<2048x1xi32>
    %add3A_129 = arith.addi %broadcast_in_dim3A_126, %add3A_128 : vector<2048x1xi32>
    %le3A_130 = arith.cmpf ole, %broadcast_in_dim3A_117, %convert_element_type3A_100 : vector<2048x1xf32>
    %select_n3A_131 = arith.select %le3A_130, %add3A_129, %select_n3A_99 : vector<2048x1xi1>, vector<2048x1xi32>
    %min3A_132 = arith.minimumf %broadcast_in_dim3A_117, %convert_element_type3A_100 : vector<2048x1xf32>
    %convert_element_type3A_133 = arith.truncf %min3A_132 : vector<2048x1xf32> to vector<2048x1xbf16>
    %convert_element_type3A_134 = arith.extf %convert_element_type3A_133 : vector<2048x1xbf16> to vector<2048x1xf32>
    %get3A_135 = arith.constant 0 : index
    %get3A_136 = arith.constant 0 : index
    %get3A_137 = vector.load %arg10[%get3A_135, %get3A_136] : memref<32x8192xf32, #tpu.memory_space<vmem>>, vector<32x8192xf32>
    %slice3A_138 = vector.extract_strided_slice %get3A_137 {offsets = [0, 4096], sizes = [32, 2048], strides = [1, 1]} : vector<32x8192xf32> to vector<32x2048xf32>
    %mul3A_139 = arith.mulf %slice3A_138, %slice3A_138 : vector<32x2048xf32>
    %reduce_sum3A_140 = arith.constant dense<0.000000e+00> : vector<2048xf32>
    %reduce_sum3A_141 = vector.multi_reduction <add>, %mul3A_139, %reduce_sum3A_140 [0] : vector<32x2048xf32> to vector<2048xf32>
    %broadcast_in_dim3A_142 = vector.shape_cast %reduce_sum3A_141 : vector<2048xf32> to vector<1x2048xf32>
    %dot_general3A_143 = arith.constant dense<0.000000e+00> : vector<2048x2048xf32>
    %dot_general3A_144 = tpu.matmul %mul3A_71, %slice3A_138, %dot_general3A_143 {dimension_numbers = #tpu.dot_dimension_numbers<[1], [0], [0], [1], [0, 0, 1, 1], [], []>, transpose_lhs_hint = false} : vector<2048x32xf32>, vector<32x2048xf32>, vector<2048x2048xf32> -> vector<2048x2048xf32>
    %add3A_145 = vector.broadcast %broadcast_in_dim3A_68 : vector<2048x1xf32> to vector<2048x2048xf32>
    %add3A_146 = arith.addf %add3A_145, %dot_general3A_144 : vector<2048x2048xf32>
    %add3A_147 = vector.broadcast %broadcast_in_dim3A_142 : vector<1x2048xf32> to vector<2048x2048xf32>
    %add3A_148 = arith.addf %add3A_146, %add3A_147 : vector<2048x2048xf32>
    %reduce_min3A_149 = arith.constant dense<0x7F800000> : vector<2048xf32>
    %reduce_min3A_150 = vector.multi_reduction <minimumf>, %add3A_148, %reduce_min3A_149 [1] : vector<2048x2048xf32> to vector<2048xf32>
    %broadcast_in_dim3A_151 = vector.shape_cast %reduce_min3A_150 : vector<2048xf32> to vector<2048x1xf32>
    %iota3A_152 = tpu.iota {dimensions = array<i32: 1>} : vector<2048x2048xi32>
    %eq3A_153 = vector.broadcast %broadcast_in_dim3A_151 : vector<2048x1xf32> to vector<2048x2048xf32>
    %eq3A_154 = arith.cmpf oeq, %add3A_148, %eq3A_153 : vector<2048x2048xf32>
    %jit3A_155 = arith.constant 1073741824 : i32
    %broadcast_in_dim3A_156 = vector.broadcast %jit3A_155 : i32 to vector<2048x2048xi32>
    %select_n3A_157 = arith.select %eq3A_154, %iota3A_152, %broadcast_in_dim3A_156 : vector<2048x2048xi1>, vector<2048x2048xi32>
    %reduce_min3A_158 = arith.constant dense<2147483647> : vector<2048xi32>
    %reduce_min3A_159 = vector.multi_reduction <minsi>, %select_n3A_157, %reduce_min3A_158 [1] : vector<2048x2048xi32> to vector<2048xi32>
    %broadcast_in_dim3A_160 = vector.shape_cast %reduce_min3A_159 : vector<2048xi32> to vector<2048x1xi32>
    %add3A_161 = arith.constant 4096 : i32
    %add3A_162 = vector.broadcast %add3A_161 : i32 to vector<2048x1xi32>
    %add3A_163 = arith.addi %broadcast_in_dim3A_160, %add3A_162 : vector<2048x1xi32>
    %le3A_164 = arith.cmpf ole, %broadcast_in_dim3A_151, %convert_element_type3A_134 : vector<2048x1xf32>
    %select_n3A_165 = arith.select %le3A_164, %add3A_163, %select_n3A_131 : vector<2048x1xi1>, vector<2048x1xi32>
    %min3A_166 = arith.minimumf %broadcast_in_dim3A_151, %convert_element_type3A_134 : vector<2048x1xf32>
    %convert_element_type3A_167 = arith.truncf %min3A_166 : vector<2048x1xf32> to vector<2048x1xbf16>
    %convert_element_type3A_168 = arith.extf %convert_element_type3A_167 : vector<2048x1xbf16> to vector<2048x1xf32>
    %get3A_169 = arith.constant 0 : index
    %get3A_170 = arith.constant 0 : index
    %get3A_171 = vector.load %arg10[%get3A_169, %get3A_170] : memref<32x8192xf32, #tpu.memory_space<vmem>>, vector<32x8192xf32>
    %slice3A_172 = vector.extract_strided_slice %get3A_171 {offsets = [0, 6144], sizes = [32, 2048], strides = [1, 1]} : vector<32x8192xf32> to vector<32x2048xf32>
    %mul3A_173 = arith.mulf %slice3A_172, %slice3A_172 : vector<32x2048xf32>
    %reduce_sum3A_174 = arith.constant dense<0.000000e+00> : vector<2048xf32>
    %reduce_sum3A_175 = vector.multi_reduction <add>, %mul3A_173, %reduce_sum3A_174 [0] : vector<32x2048xf32> to vector<2048xf32>
    %broadcast_in_dim3A_176 = vector.shape_cast %reduce_sum3A_175 : vector<2048xf32> to vector<1x2048xf32>
    %dot_general3A_177 = arith.constant dense<0.000000e+00> : vector<2048x2048xf32>
    %dot_general3A_178 = tpu.matmul %mul3A_71, %slice3A_172, %dot_general3A_177 {dimension_numbers = #tpu.dot_dimension_numbers<[1], [0], [0], [1], [0, 0, 1, 1], [], []>, transpose_lhs_hint = false} : vector<2048x32xf32>, vector<32x2048xf32>, vector<2048x2048xf32> -> vector<2048x2048xf32>
    %add3A_179 = vector.broadcast %broadcast_in_dim3A_68 : vector<2048x1xf32> to vector<2048x2048xf32>
    %add3A_180 = arith.addf %add3A_179, %dot_general3A_178 : vector<2048x2048xf32>
    %add3A_181 = vector.broadcast %broadcast_in_dim3A_176 : vector<1x2048xf32> to vector<2048x2048xf32>
    %add3A_182 = arith.addf %add3A_180, %add3A_181 : vector<2048x2048xf32>
    %reduce_min3A_183 = arith.constant dense<0x7F800000> : vector<2048xf32>
    %reduce_min3A_184 = vector.multi_reduction <minimumf>, %add3A_182, %reduce_min3A_183 [1] : vector<2048x2048xf32> to vector<2048xf32>
    %broadcast_in_dim3A_185 = vector.shape_cast %reduce_min3A_184 : vector<2048xf32> to vector<2048x1xf32>
    %iota3A_186 = tpu.iota {dimensions = array<i32: 1>} : vector<2048x2048xi32>
    %eq3A_187 = vector.broadcast %broadcast_in_dim3A_185 : vector<2048x1xf32> to vector<2048x2048xf32>
    %eq3A_188 = arith.cmpf oeq, %add3A_182, %eq3A_187 : vector<2048x2048xf32>
    %jit3A_189 = arith.constant 1073741824 : i32
    %broadcast_in_dim3A_190 = vector.broadcast %jit3A_189 : i32 to vector<2048x2048xi32>
    %select_n3A_191 = arith.select %eq3A_188, %iota3A_186, %broadcast_in_dim3A_190 : vector<2048x2048xi1>, vector<2048x2048xi32>
    %reduce_min3A_192 = arith.constant dense<2147483647> : vector<2048xi32>
    %reduce_min3A_193 = vector.multi_reduction <minsi>, %select_n3A_191, %reduce_min3A_192 [1] : vector<2048x2048xi32> to vector<2048xi32>
    %broadcast_in_dim3A_194 = vector.shape_cast %reduce_min3A_193 : vector<2048xi32> to vector<2048x1xi32>
    %add3A_195 = arith.constant 6144 : i32
    %add3A_196 = vector.broadcast %add3A_195 : i32 to vector<2048x1xi32>
    %add3A_197 = arith.addi %broadcast_in_dim3A_194, %add3A_196 : vector<2048x1xi32>
    %le3A_198 = arith.cmpf ole, %broadcast_in_dim3A_185, %convert_element_type3A_168 : vector<2048x1xf32>
    %select_n3A_199 = arith.select %le3A_198, %add3A_197, %select_n3A_165 : vector<2048x1xi1>, vector<2048x1xi32>
    %swap3A_200 = arith.constant 0 : index
    %swap3A_201 = arith.constant 0 : index
    %swap3A_202 = vector.load %arg12[%swap3A_200, %swap3A_201] : memref<2048x1xi32, #tpu.memory_space<vmem>>, vector<2048x1xi32>
    tpu.vector_store %arg12[%swap3A_200, %swap3A_201], %select_n3A_199 {strides = array<i32>} : memref<2048x1xi32, #tpu.memory_space<vmem>>, vector<2048x1xi32>,
    return
  }
  func.func @transform_0(%arg0: i32) -> (i32, i32) {
    %c0_i32 = arith.constant 0 : i32
    %c0_i32_0 = arith.constant 0 : i32
    return %arg0, %c0_i32 : i32, i32
  }
  func.func @transform_1(%arg0: i32) -> (i32, i32) {
    %c0_i32 = arith.constant 0 : i32
    %c0_i32_0 = arith.constant 0 : i32
    return %arg0, %c0_i32 : i32, i32
  }
  func.func @transform_2(%arg0: i32) -> (i32, i32) {
    %c0_i32 = arith.constant 0 : i32
    %c0_i32_0 = arith.constant 0 : i32
    return %arg0, %c0_i32 : i32, i32
  }
  func.func @transform_3(%arg0: i32) -> (i32, i32) {
    %c0_i32 = arith.constant 0 : i32
    %c0_i32_0 = arith.constant 0 : i32
    %c0_i32_1 = arith.constant 0 : i32
    return %c0_i32, %c0_i32_0 : i32, i32
  }
  func.func @transform_4(%arg0: i32) -> i32 {
    %c0_i32 = arith.constant 0 : i32
    %c0_i32_0 = arith.constant 0 : i32
    return %c0_i32 : i32
  }
  func.func @transform_5(%arg0: i32) -> (i32, i32) {
    %c0_i32 = arith.constant 0 : i32
    %c0_i32_0 = arith.constant 0 : i32
    %c0_i32_1 = arith.constant 0 : i32
    return %c0_i32, %c0_i32_0 : i32, i32
  }
  func.func @transform_6(%arg0: i32) -> i32 {
    %c0_i32 = arith.constant 0 : i32
    %c0_i32_0 = arith.constant 0 : i32
    return %c0_i32 : i32
  }
  func.func @transform_7(%arg0: i32) -> (i32, i32) {
    %c0_i32 = arith.constant 0 : i32
    %c0_i32_0 = arith.constant 0 : i32
    %c0_i32_1 = arith.constant 0 : i32
    return %c0_i32, %c0_i32_0 : i32, i32
  }
  func.func @transform_8(%arg0: i32) -> i32 {
    %c0_i32 = arith.constant 0 : i32
    %c0_i32_0 = arith.constant 0 : i32
    return %c0_i32 : i32
  }
  func.func @transform_9(%arg0: i32) -> (i32, i32) {
    %c0_i32 = arith.constant 0 : i32
    %c0_i32_0 = arith.constant 0 : i32
    %c0_i32_1 = arith.constant 0 : i32
    return %c0_i32, %c0_i32_0 : i32, i32
  }
  func.func @transform_10(%arg0: i32) -> (i32, i32) {
    %c0_i32 = arith.constant 0 : i32
    %c0_i32_0 = arith.constant 0 : i32
    return %arg0, %c0_i32 : i32, i32
  }
  func.func @transform_11(%arg0: i32) -> (i32, i32) {
    %c0_i32 = arith.constant 0 : i32
    %c0_i32_0 = arith.constant 0 : i32
    return %arg0, %c0_i32 : i32, i32
  }
}

module attributes {stable_mosaic.version = 14 : i64} {
  func.func @_loss_reduce_body(%arg0: memref<32x16xf32, #tpu.memory_space<vmem>>, %arg1: memref<1x1xf32, #tpu.memory_space<vmem>>) attributes {dimension_semantics = [], scalar_prefetch = 0 : i64, scratch_operands = 0 : i64, tpu.core_type = #tpu.core_type<tc>} {
    %get3A = arith.constant 0 : index
    %get3A_0 = arith.constant 0 : index
    %get3A_1 = vector.load %arg0[%get3A, %get3A_0] : memref<32x16xf32, #tpu.memory_space<vmem>>, vector<32x16xf32>
    %reduce_sum3A = vector.shape_cast %get3A_1 : vector<32x16xf32> to vector<1x32x16xf32>
    %reduce_sum3A_2 = arith.constant dense<0.000000e+00> : vector<1xf32>
    %reduce_sum3A_3 = vector.multi_reduction <add>, %reduce_sum3A, %reduce_sum3A_2 [1, 2] : vector<1x32x16xf32> to vector<1xf32>
    %reduce_sum3A_4 = vector.shape_cast %reduce_sum3A_3 : vector<1xf32> to vector<1x1x1xf32>
    %reduce_sum3A_5 = vector.extract %reduce_sum3A_4[0, 0, 0] : f32 from vector<1x1x1xf32>
    %broadcast_in_dim3A = vector.broadcast %reduce_sum3A_5 : f32 to vector<1x1xf32>
    %mul3A = arith.constant 4.76837158E-6 : f32
    %mul3A_6 = vector.broadcast %mul3A : f32 to vector<1x1xf32>
    %mul3A_7 = arith.mulf %broadcast_in_dim3A, %mul3A_6 : vector<1x1xf32>
    %swap3A = arith.constant 0 : index
    %swap3A_8 = arith.constant 0 : index
    %swap3A_9 = vector.load %arg1[%swap3A, %swap3A_8] : memref<1x1xf32, #tpu.memory_space<vmem>>, vector<1x1xf32>
    tpu.vector_store %arg1[%swap3A, %swap3A_8], %mul3A_7 {strides = array<i32>} : memref<1x1xf32, #tpu.memory_space<vmem>>, vector<1x1xf32>,
    return
  }
}

</mosaic_0001>

<sc_bundles>
// kernel: kernel.5.cloned.1.call-start
scs
__scs_entry_jumppad:
0x0: {  	(pc) =	sbr.rel $0x88, $3  }
0x1: {  	(tag) =	ssettag $0x0;
	lr =	simm.s32 $0x1  }
0x2: {  	[smem:$0x3F98] =	sst lr;
	_ =	strace $0xD0000000  }
0x3: {  	_ = 	snop  }
0x4: {  	_ = 	snop  }
0x5: {  	_ = 	snop  }
0x6: {  	_ = 	snop  }
0x7: {  	_ = 	snop  }
__scs_overlays_trampoline_lowered:
0x8: {  	[smem:$0x3FA7] =	sst s0  }
0x9: {  	[smem:$0x3FA8] =	sst s1  }
0xa: {  	[smem:$0x3FA9] =	sst s2  }
0xb: {  	[smem:$0x3FAA] =	sst s3  }
0xc: {  	[smem:$0x3FAB] =	sst s4  }
0xd: {  	[smem:$0x3FAC] =	sst s5  }
0xe: {  	[smem:$0x3FAD] =	sst s6  }
0xf: {  	[smem:$0x3FAE] =	sst s7  }
0x10: {  	[smem:$0x3FAF] =	sst s8  }
0x11: {  	[smem:$0x3FB0] =	sst s9;
	s0 =	simm.s32 @!p0 $0x0  }
0x12: {  	s1 =	sld [smem:$0x3F96];
	s0 =	simm.s32 @p0 $0x1  }
0x13: {  	[smem:$0x3FB1] =	sst s0;
	s0 =	simm.s32 @!p1 $0x0  }
0x14: {  	s2 =	sld [smem:$0x3F95];
	s0 =	simm.s32 @p1 $0x1  }
0x15: {  	[smem:$0x3FB2] =	sst s0;
	s0 =	simm.s32 @!p2 $0x0  }
0x16: {  	s3 =	sld [smem:$0x3FDB];
	s0 =	simm.s32 @p2 $0x1  }
0x17: {  	s4 =	simm.s32 $0x1BF5;
	[smem:$0x3FB4] =	sst s0  }
0x18: {  	s0 =	sld [smem:$0x3F97];
	_ =	swait.ge [sflag:s4], $0x0  }
0x19: {  	s7 =	sld [smem:$0x3F98]  }
0x1a: {  	s8 =	sadd.s32 $0xFFFFE003, lr  }
0x1b: {  	s9 =	sadd.s32 $0xFFFFFEF7, lr;
	s5 =	simm.s32 $0xFFFFFFFF;
	p2 =	slt.u32 s8, $0xFFFFF086  }
0x1c: {  	p1 =	slt.u32 s9, $0xF7A;
	s5 =	simm.s32 @!p2 $0x0  }
0x1d: {  	s5 =	simm.s32 @p1 $0x1;
	p0 =	seq.s32 s7, s2  }
0x1e: {  	s7 =	smul.u32 @!p0 $0xF7A, s2;
	p2 =	seq.s32 @!p0 s5, $0x0  }
0x1f: {  	s9 =	smul.u32 $0xF7A, s1;
	s8 =	simm.s32 @!p0 $0x1BF5;
	p2 =	por !p2, p0  }
0x20: {  	[sflag:s8] =	ssyncset.s32 @!p0 $0xFFFFF086;
	s6 =	sadd.s32 @!p0 s3, s7;
	s7 =	simm.s32 @!p0 $0x108  }
0x21: {  	s3 =	sadd.s32 s3, s9;
	s6 =	sadd.s32 @!p0 $0x88, s6;
	s7 =	simm.s32 @p2 $0x1082  }
0x22: {  	[simem:s7], [sflag:s8] =	dma.local @!p0 [hbm:s6], $0xF7A  }
0x23: {  	s9 =	sor.u32 $0xD0000000, s2;
	s6 =	simm.s32 $0x108;
	_ =	swait.ge @!p0 [sflag:s8], $0x0  }
0x24: {  	s3 =	sadd.s32 $0x88, s3;
	s6 =	simm.s32 @!p1 $0x1082;
	[sflag:s4] =	ssyncset.s32 $0xFFFFF086  }
0x25: {  	[simem:s6], [sflag:s4] =	dma.local [hbm:s3], $0xF7A  }
0x26: {  	[smem:$0x3F98] =	sst s1;
	(tag) =	ssettag s2;
	_ =	strace s9  }
0x27: {  	s1 =	sld [smem:$0x3FA8]  }
0x28: {  	s2 =	sld [smem:$0x3FA9]  }
0x29: {  	s4 =	sld [smem:$0x3FAB]  }
0x2a: {  	p0 =	seq.s32 s5, $0x0;
	s5 =	sld [smem:$0x3FAC]  }
0x2b: {  	s6 =	sld [smem:$0x3FAD]  }
0x2c: {  	s7 =	sld [smem:$0x3FAE]  }
0x2d: {  	s3 =	simm.s32 $0x108;
	s8 =	sld [smem:$0x3FAF]  }
0x2e: {  	s3 =	simm.s32 @!p0 $0x1082;
	s9 =	sld [smem:$0x3FB0]  }
0x2f: {  	lr =	sadd.s32 s0, s3;
	s0 =	sld [smem:$0x3FA7]  }
0x30: {  	s3 =	sld [smem:$0x3FAA]  }
0x31: {  	[smem:$0x3FB3] =	sst s10  }
0x32: {  	s10 =	sld [smem:$0x3FB1];
	_ =	sdelay $0x3  }
0x33: {  	p0 =	seq.s32 s10, $0x1;
	s10 =	sld [smem:$0x3FB3];
	_ =	sdelay $0x3  }
0x34: {  	[smem:$0x3FB3] =	sst s10  }
0x35: {  	s10 =	sld [smem:$0x3FB2];
	_ =	sdelay $0x3  }
0x36: {  	p1 =	seq.s32 s10, $0x1;
	s10 =	sld [smem:$0x3FB3];
	_ =	sdelay $0x3  }
0x37: {  	[smem:$0x3FB3] =	sst s10  }
0x38: {  	s10 =	sld [smem:$0x3FB4]  }
0x39: {  	_ = 	snop;
	(pc) =	sbr.ind lr, $3  }
0x3a: {  	_ = 	snop  }
0x3b: {  	_ = 	snop  }
0x3c: {  	p2 =	seq.s32 s10, $0x1;
	s10 =	sld [smem:$0x3FB3]  }
0x3d: {  	_ =	shalt  }
0x3e: {  	_ =	shalt  }
0x3f: {  	_ =	shalt  }
0x40: {  	_ =	shalt  }
0x41: {  	_ =	shalt  }
0x42: {  	_ =	shalt  }
0x43: {  	_ =	shalt  }
0x44: {  	_ =	shalt  }
0x45: {  	_ =	shalt  }
0x46: {  	_ =	shalt  }
0x47: {  	_ =	shalt  }
0x48: {  	_ =	shalt  }
0x49: {  	_ =	shalt  }
0x4a: {  	_ =	shalt  }
0x4b: {  	_ =	shalt  }
0x4c: {  	_ =	shalt  }
0x4d: {  	_ =	shalt  }
0x4e: {  	_ =	shalt  }
0x4f: {  	_ =	shalt  }
0x50: {  	_ =	shalt  }
0x51: {  	_ =	shalt  }
0x52: {  	_ =	shalt  }
0x53: {  	_ =	shalt  }
0x54: {  	_ =	shalt  }
0x55: {  	_ =	shalt  }
0x56: {  	_ =	shalt  }
0x57: {  	_ =	shalt  }
0x58: {  	_ =	shalt  }
0x59: {  	_ =	shalt  }
0x5a: {  	_ =	shalt  }
0x5b: {  	_ =	shalt  }
0x5c: {  	_ =	shalt  }
0x5d: {  	_ =	shalt  }
0x5e: {  	_ =	shalt  }
0x5f: {  	_ =	shalt  }
0x60: {  	_ =	shalt  }
0x61: {  	_ =	shalt  }
0x62: {  	_ =	shalt  }
0x63: {  	_ =	shalt  }
0x64: {  	_ =	shalt  }
0x65: {  	_ =	shalt  }
0x66: {  	_ =	shalt  }
0x67: {  	_ =	shalt  }
0x68: {  	_ =	shalt  }
0x69: {  	_ =	shalt  }
0x6a: {  	_ =	shalt  }
0x6b: {  	_ =	shalt  }
0x6c: {  	_ =	shalt  }
0x6d: {  	_ =	shalt  }
0x6e: {  	_ =	shalt  }
0x6f: {  	_ =	shalt  }
0x70: {  	_ =	shalt  }
0x71: {  	_ =	shalt  }
0x72: {  	_ =	shalt  }
0x73: {  	_ =	shalt  }
0x74: {  	_ =	shalt  }
0x75: {  	_ =	shalt  }
0x76: {  	_ =	shalt  }
0x77: {  	_ =	shalt  }
0x78: {  	_ =	shalt  }
0x79: {  	_ =	shalt  }
0x7a: {  	_ =	shalt  }
0x7b: {  	_ =	shalt  }
0x7c: {  	_ =	shalt  }
0x7d: {  	_ =	shalt  }
0x7e: {  	_ =	shalt  }
0x7f: {  	_ =	shalt  }
0x80: {  	_ =	shalt  }
0x81: {  	_ =	shalt  }
0x82: {  	_ =	shalt  }
0x83: {  	_ =	shalt  }
0x84: {  	_ =	shalt  }
0x85: {  	_ =	shalt  }
0x86: {  	_ =	shalt  }
0x87: {  	_ =	shalt  }
.Lfunc_end0:
.L_simem_size_0:
called_computation_lowered:
.L_overlay_start_0:
0x88: {  	s2 =	sld [smem:$0x3FD9]  }
0x89: {  	s3 =	sld [smem:$0x3FFE];
	_ =	sdelay $0x1  }
0x8a: {  	s1 =	srdreg.scid  }
0x8b: {  	s0 =	sand.u32 $0x1, s1  }
0x8c: {  	s14 =	sshll.u32 s0, $0xA;
	s2 =	sadd.s32 s3, s2  }
0x8d: {  	s2 =	sadd.s32 s2, s14  }
0x8e: {  	[smem:$0x3FBF] =	sst s2  }
0x8f: {  	_ = 	snop  }
0x90: {  	s2 =	sld [smem:$0x3FD0];
	_ =	sdelay $0x2  }
0x91: {  	s15 =	simm.s32 $0xA;
	s4 =	simm.s32 $0x10  }
0x92: {  	[smem:s4], [sflag:s15] =	dma.local [hbm:s2], $0x1  }
0x93: {  	_ =	swait.eq [sflag:s15], $0x1  }
0x94: {  	[sflag:s15] =	ssyncset.done $0x0  }
0x95: {  	[sflag:s15] =	ssyncadd.s32 $0xFFFFFFFF  }
0x96: {  	s16 =	sld [smem:$0x10];
	(tm) =	ssettm $0x1  }
0x97: {  	s17 =	sld [smem:$0x3FFB];
	_ =	sdelay $0x3  }
0x98: {  	_ =	strace s17  }
0x99: {  	s3 =	sld [smem:$0x3FFC];
	_ =	sdelay $0x3  }
0x9a: {  	_ =	strace s3  }
0x9b: {  	s3 =	sld [smem:$0x3FFD];
	_ =	sdelay $0x3  }
0x9c: {  	_ =	strace s3  }
0x9d: {  	_ =	strace $0x8FFFFFFF  }
0x9e: {  	s18 =	sld [smem:$0x3FDB];
	_ =	sdelay $0x1  }
0x9f: {  	s19 =	simm.s32 $_scs_section_size  }
0xa0: {  	s5 =	simm.s32 $_size__tile_overlayer_lowered;
	s6 =	simm.s32 $_tile_overlayer_lowered  }
0xa1: {  	s22 =	simm.s32 $0x1BFF;
	s21 =	sshll.u32 s6, $0x1;
	s3 =	sadd.s32 s19, s18  }
0xa2: {  	s7 =	simm.s32 $0x0;
	s20 =	sshll.u32 s5, $0x1;
	s5 =	sadd.s32 s21, s3  }
0xa3: {  	[timem:s7], [sflag:s22] =	dma.local [hbm:s5], s20  }
0xa4: {  	_ =	swait.ge [sflag:s22], s20  }
0xa5: {  	s4 =	ssub.s32 $0x0, s20;
	[sflag:s22] =	ssyncset.done $0x0  }
0xa6: {  	[sflag:s22] =	ssyncadd.s32 s4;
	_ =	sdelay $0x1  }
0xa7: {  	s23 =	simm.s32 $0x1B8B  }
0xa8: {  	_ =	swait.ge [sflag:s23], $0x1  }
0xa9: {  	[sflag:s23] =	ssyncset.done $0x0  }
0xaa: {  	s25 =	simm.s32 $0x1B8E;
	s24 =	sld [smem:$0x3FFE];
	[sflag:s23] =	ssyncadd.s32 $0xFFFFFFFF  }
0xab: {  	s26 =	simm.s32 $execute0_lowered;
	[smem:$0x3FD2] =	sst s25  }
0xac: {  	s5 =	sshll.u32 s26, $0x1;
	_ =	strace $0x80000046;
	[dreg:$0x1] =	wrdreg $0xFFFFFFFF  }
0xad: {  	s28 =	simm.s32 $_size_execute0_lowered;
	s3 =	sadd.s32 s3, s5;
	[dreg:$0x0] =	wrdreg $0x0  }
0xae: {  	s5 =	sshll.u32 s28, $0x1;
	[dreg:$0x2] =	wrdreg s3  }
0xaf: {  	[dreg:$0x3] =	wrdreg s5  }
0xb0: {  	[dreg:$0x4] =	wrdreg $0xC0  }
0xb1: {  	_ =	task [dreg:s7], $0x5FFFF  }
0xb2: {  	[dreg:$0x1] =	wrdreg $0xFFFFFFFF  }
0xb3: {  	[dreg:$0x0] =	wrdreg $0x60  }
0xb4: {  	[dreg:$0x2] =	wrdreg s16  }
0xb5: {  	[dreg:$0x3] =	wrdreg s24  }
0xb6: {  	[dreg:$0x4] =	wrdreg $0x9  }
0xb7: {  	_ =	task.clear_ibuf [dreg:s7], $0x5FFFF;
	_ =	strace $0x90000046  }
0xb8: {  	s29 =	simm.s32 $0x9;
	_ =	strace $0x80000048  }
0xb9: {  	_ =	swait.ge [sflag:s29], $0x1  }
0xba: {  	[sflag:s29] =	ssyncadd.s32 $0xFFFFFFFF  }
0xbb: {  	_ =	strace $0x90000048  }
0xbc: {  	_ =	sfence  }
0xbd: {  	s30 =	sld [smem:$0x0];
	_ =	sdelay $0x2  }
0xbe: {  	s31 =	sshll.u32 s1, $0xD;
	s1 =	sshrl.u32 s1, $0x2  }
0xbf: {  	s3 =	sand.u32 $0x4000, s31;
	s1 =	sadd.s32 s1, s30  }
0xc0: {  	s0 =	sor.u32 s3, s0;
	s1 =	sshll.u32 s1, $0x11  }
0xc1: {  	s0 =	sor.u32 s1, s0  }
0xc2: {  	s0 =	sadd.s32 $0x8F2B, s0  }
0xc3: {  	[sflag:s0] =	ssyncadd.remote.s32 $0x1  }
0xc4: {  	_ =	sfence.sel $0xFFFF  }
0xc5: {  	[dreg:$0x0] =	wrdreg $0xFFFFFFFF;
	(pc) =	sbr.abs _section_cstart, $3  }
0xc6: {  	[dreg:$0x1] =	wrdreg $0xFFFFFFFF  }
0xc7: {  	_ =	task.clear_ibuf [dreg:s7], $0x2FFFF;
	_ =	strace $0x9FFFFFFF  }
0xc8: {  	(tm) =	ssettm $0x7FFFFFFF  }
0xc9: {  	_ =	shalt  }
tec
execute0_lowered:
.L_overlay_start_1:
0x0: {  	(tag) =	ssettag $0x1  }
0x1: {  	s0 =	srdreg.scid;
	s2 =	rddreg [dreg:$0x0]  }
0x2: {  	s5 =	rddreg [dreg:$0x1];
	s1 =	stileid.u32  }
0x3: {  	s3 =	simm.s32 $0x0;
	s11 =	simm.s32 $0x2100;
	s12 =	simm.s32 $0x80  }
0x4: {  	s13 =	simm.s32 $0x100;
	s14 =	simm.s32 $0x1;
	s15 =	simm.s32 $0x1100  }
0x5: {  	s16 =	simm.s32 $0x4100;
	s4 =	sand.u32 $0x1, s0;
	s0 =	rddreg [dreg:$0x2]  }
0x6: {  	s17 =	simm.s32 $0x0;
	[smem:$0x7FF] =	sst s3;
	s6 =	sshll.u32 s4, $0x4  }
0x7: {  	_ =	strace $0x80000047;
	s4 =	ssub.s32 $0x2, s4;
	s6 =	sor.u32 s1, s6  }
0x8: {  	s31 =	sshrl.u32 s4, $0x1;
	s7 =	sshll.u32 s6, $0x5;
	s8 =	sshll.u32 s6, $0xA  }
0x9: {  	s6 =	sshll.u32 s6, $0x1;
	s10 =	ssub.s32 s4, s31;
	s7 =	sadd.s32 s7, s5  }
0xa: {  	s8 =	sadd.s32 s8, s5;
	s9 =	sadd.s32 s6, s5;
	s4 =	sadd.s32 $0x9C00, s7  }
0xb: {  	s5 =	sadd.s32 $0x1C00, s8;
	s6 =	sadd.s32 $0xA000, s8;
	s7 =	sadd.s32 $0xA200, s8  }
0xc: {  	s8 =	sadd.s32 $0x12000, s9;
	s9 =	smax.u32 s10, $0x1;
	s10 =	simm.s32 $0x2  }
.LBB2_1:
0xd: {  	[tilespmem:s3], [sflag:$0x2] =	stream.linear.gather [hbm4b:s4+s3], $0x100, $0x38;
	[tilespmem:$0x4110] =	vst v63  }
0xe: {  	_ =	swait.ge [sflag:s10], $0x100  }
0xf: {  	[sflag:s10] =	ssyncset.done $0x0  }
0x10: {  	[sflag:s10] =	ssyncadd.s32 $0xFFFFFF00  }
0x11: {  	[tilespmem:s11], [sflag:$0x2] =	stream.linear.gather [hbm4b:s5+s3], $0x2000, $0x38;
	[tilespmem:$0x4110] =	vst v63  }
0x12: {  	_ =	swait.ge [sflag:s10], $0x2000  }
0x13: {  	[sflag:s10] =	ssyncset.done $0x0  }
0x14: {  	[sflag:s10] =	ssyncadd.s32 $0xFFFFE000  }
0x15: {  	[tilespmem:s13], [sflag:$0x1] =	stream.indirect.gather [hbm4b:s2+s12], $0x20, s3, s12, $0xb8;
	[tilespmem:$0x4110] =	vst v63  }
0x16: {  	_ =	swait.ge [sflag:s14], $0x1000  }
0x17: {  	[sflag:s14] =	ssyncset.done $0x0  }
0x18: {  	[sflag:s14] =	ssyncadd.s32 $0xFFFFF000  }
0x19: {  	[hbm4b:s6+s3] =	stream.linear.scatter [tilespmem:s13], [sflag:$0x2], $0x1000, $0x38;
	[tilespmem:$0x4110] =	vst v63  }
0x1a: {  	_ =	swait.ge [sflag:s10], $0x1000  }
0x1b: {  	[sflag:s10] =	ssyncset.done $0x0  }
0x1c: {  	[sflag:s10] =	ssyncadd.s32 $0xFFFFF000  }
0x1d: {  	[tilespmem:s15], [sflag:$0x1] =	stream.indirect.gather [hbm4b:s2+s12], $0x20, s12, s12, $0xb8;
	[tilespmem:$0x4110] =	vst v63  }
0x1e: {  	_ =	swait.ge [sflag:s14], $0x1000  }
0x1f: {  	[sflag:s14] =	ssyncset.done $0x0  }
0x20: {  	[sflag:s14] =	ssyncadd.s32 $0xFFFFF000  }
0x21: {  	[hbm4b:s7+s3] =	stream.linear.scatter [tilespmem:s15], [sflag:$0x2], $0x1000, $0x38;
	[tilespmem:$0x4110] =	vst v63  }
0x22: {  	_ =	swait.ge [sflag:s10], $0x1000  }
0x23: {  	[sflag:s10] =	ssyncset.done $0x0  }
0x24: {  	s19 =	simm.s32 $0x0;
	[sflag:s10] =	ssyncadd.s32 $0xFFFFF000  }
0x25: {  	v0 =	vld [tilespmem:s19+$0x2100]  }
0x26: {  	v2 =	vld [tilespmem:s19+$0x100]  }
0x27: {  	v7 =	vld [tilespmem:s19+$0x2110]  }
0x28: {  	v8 =	vld [tilespmem:s19+$0x110]  }
0x29: {  	v1 =	vld [tilespmem:s19+$0x3100]  }
0x2a: {  	v4 =	vld [tilespmem:s19+$0x1100]  }
0x2b: {  	v3 =	vld [tilespmem:s19+$0x1110];
	v6 =	vsub.f32 v0, v2  }
0x2c: {  	s18 =	simm.s32 $0x20;
	v0 =	vld [tilespmem:s19+$0x3110]  }
0x2d: {  	v5 =	vimm.f32 $0.0e+00;
	v2 =	vld [tilespmem:s18+$0x2100];
	s19 =	simm.s32 $0x100;
	v7 =	vsub.f32 v7, v8;
	v6 =	vmul.f32 v6, v6  }
.LBB2_2:
0x2e: {  	p0 =	sne.s32 s19, $0x3F80;
	v8 =	vld [tilespmem:s18+$0x100]  }
0x2f: {  	v9 =	vld [tilespmem:s18+$0x2110];
	v5 =	vadd.f32 v6, v5;
	v6 =	vmul.f32 v7, v7;
	v4 =	vsub.f32 v1, v4  }
0x30: {  	v7 =	vld [tilespmem:s18+$0x110]  }
.Ltmp0:
0x31: {  	v1 =	vld [tilespmem:s18+$0x3100];
	v5 =	vadd.f32 v6, v5;
	v6 =	vmul.f32 v4, v4;
	v3 =	vsub.f32 v0, v3;
	(pc) =	sbr.rel @p0 .LBB2_2-.Ltmp0, $4  }
0x32: {  	v4 =	vld [tilespmem:s18+$0x1100]  }
0x33: {  	v8 =	vsub.f32 v2, v8;
	v0 =	vld [tilespmem:s18+$0x3110];
	v5 =	vadd.f32 v6, v5;
	v10 =	vmul.f32 v3, v3  }
0x34: {  	v3 =	vld [tilespmem:s18+$0x1110];
	s18 =	sshra.s32 s19, $0x2  }
0x35: {  	s19 =	sadd.s32 $0x80, s19;
	v2 =	vld [tilespmem:s18+$0x2100];
	v6 =	vmul.f32 v8, v8;
	v7 =	vsub.f32 v9, v7;
	v5 =	vadd.f32 v10, v5  }
0x36: {  	v8 =	vld [tilespmem:s18+$0x100]  }
0x37: {  	v9 =	vld [tilespmem:s18+$0x2110];
	v5 =	vadd.f32 v6, v5;
	v53 =	vmul.f32 v7, v7;
	v1 =	vsub.f32 v1, v4  }
0x38: {  	v54 =	vld [tilespmem:s18+$0x110]  }
0x39: {  	v55 =	vld [tilespmem:s18+$0x3100];
	v5 =	vadd.f32 v53, v5;
	v1 =	vmul.f32 v1, v1;
	v0 =	vsub.f32 v0, v3  }
0x3a: {  	v56 =	vld [tilespmem:s18+$0x1100]  }
0x3b: {  	v57 =	vld [tilespmem:s18+$0x3110];
	v2 =	vsub.f32 v2, v8;
	v1 =	vadd.f32 v1, v5;
	v0 =	vmul.f32 v0, v0  }
0x3c: {  	v58 =	vld [tilespmem:s18+$0x1110]  }
0x3d: {  	v4 =	vsub.f32 v9, v54;
	v2 =	vmul.f32 v2, v2;
	v0 =	vadd.f32 v0, v1;
	_ =	sdelay $0x1  }
0x3e: {  	v60 =	vsub.f32 v55, v56;
	v59 =	vmul.f32 v4, v4;
	v0 =	vadd.f32 v2, v0;
	_ =	sdelay $0x1  }
0x3f: {  	v62 =	vsub.f32 v57, v58;
	v61 =	vmul.f32 v60, v60;
	v0 =	vadd.f32 v59, v0;
	_ =	sdelay $0x1  }
0x40: {  	v63 =	vmul.f32 v62, v62;
	v0 =	vadd.f32 v61, v0;
	_ =	sdelay $0x1  }
0x41: {  	s17 =	sadd.s32 $0x1, s17;
	v0 =	vadd.f32 v63, v0  }
0x42: {  	p0 =	sne.s32 s17, s9  }
.Ltmp1:
0x43: {  	[tilespmem:$0x4100] =	vst v0;
	(pc) =	sbr.rel @p0 .LBB2_1-.Ltmp1, $4  }
0x44: {  	[hbm4b:s8+s3] =	stream.linear.scatter [tilespmem:s16], [sflag:$0x2], $0x10, $0x38;
	[tilespmem:$0x4110] =	vst v63  }
0x45: {  	_ =	swait.ge [sflag:s10], $0x10  }
0x46: {  	[sflag:s10] =	ssyncset.done $0x0  }
0x47: {  	[sflag:s10] =	ssyncadd.s32 $0xFFFFFFF0  }
0x48: {  	_ =	sfence.sel $0x180000  }
0x49: {  	[bflag:$0x0] =	sbarrier.arrive $0xFFFF  }
0x4a: {  	p0 =	sne.s32 s1, $0x0;
	_ =	strace $0x90000047  }
0x4b: {  	s0 =	sadd.s32 @!p0 $0x100000, s0;
	[bflag:$0x2] =	sbarrier.arrive $0xFFFF  }
0x4c: {  	[sflag:s0] =	ssyncadd.tile.s32 @!p0 $0x1;
	_ =	shalt  }
.Lfunc_end2:
_tile_overlayer_lowered:
.L_overlay_start_2:
0x4d: {  	(tag) =	ssettag $0x2  }
0x4e: {  	s0 =	rddreg [dreg:$0x0];
	s2 =	stileid.u32  }
0x4f: {  	s1 =	rddreg [dreg:$0x1];
	p0 =	sne.s32 s2, $0x0  }
0x50: {  	s3 =	rddreg [dreg:$0x2];
	[bflag:$0x3] =	sbarrier.arrive $0xFFFF;
	s2 =	simm.s32 @!p0 $0x1C02  }
0x51: {  	[timem:s3], [sflag:s2] =	dma.local @!p0 [hbm:s0], s1  }
0x52: {  	s0 =	simm.s32 @!p0 $0x2  }
0x53: {  	_ =	swait.ge @!p0 [sflag:s0], s1  }
0x54: {  	s1 =	ssub.s32 @!p0 $0x0, s1;
	[sflag:s0] =	ssyncset.done @!p0 $0x0  }
0x55: {  	[sflag:s0] =	ssyncadd.s32 @!p0 s1  }
0x56: {  	[bflag:$0x3] =	sbarrier.arrive $0xFFFF  }
0x57: {  	_ =	shalt  }

</sc_bundles>
